<compile_context>
chip_gen: v7x
topology: tpu7x:2x2x1
jax: 0.10.2.dev20260603
libtpu: 0.0.44.dev20260713+nightly
codegen_flags: <defaults>
</compile_context>

<pallas_src>
import functools

import jax
import jax.numpy as jnp
from jax import lax
from jax.experimental import pallas as pl
from jax.experimental.pallas import tpu as pltpu
from jax.experimental.pallas import tpu_sc as plsc

BATCH = 16384
NUM_FIELDS = 26
VOCAB = 1000000

RS = VOCAB + 64
WFLAT = NUM_FIELDS * RS

NW = 32
CB = BATCH // NW
CHUNK = 128
NCH = NUM_FIELDS * CB // CHUNK
CPF = CB // CHUNK
GRP = 8
NGRP = NCH // GRP

_mesh = plsc.VectorSubcoreMesh(core_axis_name="c", subcore_axis_name="s")


@functools.partial(
    pl.kernel,
    mesh=_mesh,
    out_type=jax.ShapeDtypeStruct((BATCH,), jnp.float32),

    scratch_types=[
        pltpu.VMEM((NCH, CHUNK), jnp.int32),
        pltpu.VMEM((NCH, CHUNK), jnp.float32),
        pltpu.VMEM((CB,), jnp.float32),
        pltpu.VMEM((16,), jnp.float32),
        pltpu.SemaphoreType.DMA,
    ],
)
def _gather_sum(idx_hbm, w_hbm, bias_hbm, out_hbm, idx_v, vals_v, acc_v,
                bias_v, sem):
    wid = lax.axis_index("s") * 2 + lax.axis_index("c")

    pltpu.sync_copy(idx_hbm.at[wid], idx_v)
    pltpu.sync_copy(bias_hbm, bias_v)

    def fire_group(g):
        for k in range(GRP):
            r = g * GRP + k
            f = r // CPF
            pltpu.async_copy(w_hbm.at[f, 0].at[idx_v.at[r]],
                             vals_v.at[r], sem)

    def drain_one(r):
        pltpu.make_async_copy(w_hbm.at[0, 0].at[pl.ds(0, CHUNK)],
                              vals_v.at[r], sem).wait()

    fire_group(0)

    def pipe_body(g, carry):
        fire_group(g + 1)
        for k in range(GRP):
            drain_one(g * GRP + k)
        return carry

    lax.fori_loop(0, NGRP - 1, pipe_body, 0)
    for k in range(GRP):
        drain_one((NGRP - 1) * GRP + k)

    def acc_body(c, carry):
        base_r = c // (CHUNK // 16)
        off = (c % (CHUNK // 16)) * 16
        v = bias_v[...]
        for f in range(NUM_FIELDS):
            v = v + vals_v[CPF * f + base_r, pl.ds(off, 16)]
        acc_v[pl.ds(c * 16, 16)] = v
        return carry

    lax.fori_loop(0, CB // 16, acc_body, 0)

    pltpu.sync_copy(acc_v, out_hbm.at[pl.ds(wid * CB, CB)])


def kernel(indices, W, bias):
    idx32 = indices.astype(jnp.int32)
    idx_prep = (idx32.T.reshape(NUM_FIELDS, NW, CB)
                .swapaxes(0, 1)
                .reshape(NW, NCH, CHUNK))
    w_nat = jnp.transpose(W, (0, 2, 1))
    bias16 = jnp.broadcast_to(bias.astype(jnp.float32), (16,))
    out = _gather_sum(idx_prep, w_nat, bias16)
    return out.reshape(BATCH, 1)

# --- scband reference (transcript-rebuilt; emitter-appended) ---
"""Pipeline reference for scband-lrlayer-32435593019722 (READ-ONLY COPY).

The authoritative reference and input builder live on the scoring server;
editing this copy changes nothing except your own understanding.
"""

import jax, jax.numpy as jnp
import numpy as np

BATCH = 16384
NUM_FIELDS = 26
VOCAB = 1000000
UNITS = 1


def setup_inputs(seed: int = 0) -> dict:
    key = jax.random.key(seed)
    k1, k2 = jax.random.split(key, 2)
    # One categorical id per field per example (single-valent sparse ids;
    # safe_embedding_lookup_sparse with combiner='sum' over one id == plain gather).
    indices = jax.random.randint(k1, (BATCH, NUM_FIELDS), 0, VOCAB, dtype=jnp.int64)
    # Per-column LR weight tables: one (VOCAB, UNITS) table per categorical column.
    W = jax.random.normal(k2, (NUM_FIELDS, VOCAB, UNITS), dtype=jnp.float32) * 0.01
    bias = jnp.zeros((UNITS,), dtype=jnp.float32)
    return {"indices": indices, "W": W, "bias": bias}


def reference(indices, W, bias):
    # For each column: embedding lookup of its ids into its own weight table,
    # combiner='sum' over the (single) id per example.
    # gathered: [NUM_FIELDS, BATCH, UNITS]
    gathered = jax.vmap(lambda w, idx: jnp.take(w, idx, axis=0), in_axes=(0, 1))(W, indices)
    # tf.math.accumulate_n over per-column outputs
    predictions_no_bias = jnp.sum(gathered, axis=0)
    # tf.nn.bias_add
    predictions = predictions_no_bias + bias
    return predictions

if __name__ == "__main__":
    import jax
    _d = setup_inputs()
    print(jax.jit(kernel)(*tuple(_d.values())))

</pallas_src>

<mosaic_0001>
#map = affine_map<(d0, d1) -> (0, 0, 0)>
#map1 = affine_map<(d0, d1) -> (0)>
module attributes {stable_mosaic.version = 14 : i64} {
  func.func @_gather_sum(%arg0: i32, %arg1: i32, %arg2: memref<32x104x128xi32, #tpu.memory_space<hbm>>, %arg3: memref<26x1x1000000xf32, #tpu.memory_space<hbm>>, %arg4: memref<16xf32, #tpu.memory_space<hbm>>, %arg5: memref<16384xf32, #tpu.memory_space<hbm>>, %arg6: memref<104x128xi32, #tpu.memory_space<vmem>>, %arg7: memref<104x128xf32, #tpu.memory_space<vmem>>, %arg8: memref<512xf32, #tpu.memory_space<vmem>>, %arg9: memref<16xf32, #tpu.memory_space<vmem>>, %arg10: memref<!tpu.dma_semaphore, #tpu.memory_space<semaphore_mem>>) attributes {dimension_semantics = [#tpu.dimension_semantics<core_parallel>, #tpu.dimension_semantics<subcore_parallel>], iteration_bounds = array<i64: 2, 16>, scalar_prefetch = 0 : i64, scratch_operands = 5 : i64, tpu.core_type = #tpu.core_type<sc_vector_subcore>, window_params = [{transform_indices = #map}, {transform_indices = #map}, {transform_indices = #map1}, {transform_indices = #map1}]} {
    %mul3A = arith.constant 2 : i32
    %mul3A_0 = arith.muli %arg1, %mul3A : i32
    %add3A = arith.addi %mul3A_0, %arg0 : i32
    "tpu.region"() ({
      %run_scoped3A = tpu.sem_alloc : memref<!tpu.dma_semaphore, #tpu.memory_space<semaphore_mem>>
      %dma_start3A_284 = arith.constant 0 : i32
      %dma_start3A_285 = arith.constant 0 : i32
      %dma_start3A_286 = tpu.memref_slice %arg2[%add3A, %dma_start3A_284, %dma_start3A_285] : memref<32x104x128xi32, #tpu.memory_space<hbm>> -> memref<1x104x128xi32, #tpu.memory_space<hbm>>
      %dma_start3A_287 = tpu.memref_squeeze %dma_start3A_286 : memref<1x104x128xi32, #tpu.memory_space<hbm>> -> memref<104x128xi32, #tpu.memory_space<hbm>>
      %dma_start3A_288 = arith.constant 0 : i32
      %dma_start3A_289 = arith.constant 0 : i32
      %dma_start3A_290 = tpu.memref_slice %arg2[%add3A, %dma_start3A_288, %dma_start3A_289] : memref<32x104x128xi32, #tpu.memory_space<hbm>> -> memref<1x104x128xi32, #tpu.memory_space<hbm>>
      %dma_start3A_291 = tpu.memref_squeeze %dma_start3A_290 : memref<1x104x128xi32, #tpu.memory_space<hbm>> -> memref<104x128xi32, #tpu.memory_space<hbm>>
      tpu.enqueue_dma source(%dma_start3A_291 : memref<104x128xi32, #tpu.memory_space<hbm>>) target(%arg6 : memref<104x128xi32, #tpu.memory_space<vmem>>) target_semaphore(%run_scoped3A : memref<!tpu.dma_semaphore, #tpu.memory_space<semaphore_mem>>)
      %dma_wait3A_292 = arith.constant 0 : i32
      %dma_wait3A_293 = arith.constant 0 : i32
      %dma_wait3A_294 = tpu.memref_slice %arg2[%add3A, %dma_wait3A_292, %dma_wait3A_293] : memref<32x104x128xi32, #tpu.memory_space<hbm>> -> memref<1x104x128xi32, #tpu.memory_space<hbm>>
      %dma_wait3A_295 = tpu.memref_squeeze %dma_wait3A_294 : memref<1x104x128xi32, #tpu.memory_space<hbm>> -> memref<104x128xi32, #tpu.memory_space<hbm>>
      %dma_wait3A_296 = arith.constant 0 : i32
      %dma_wait3A_297 = arith.constant 0 : i32
      %dma_wait3A_298 = tpu.memref_slice %arg2[%add3A, %dma_wait3A_296, %dma_wait3A_297] : memref<32x104x128xi32, #tpu.memory_space<hbm>> -> memref<1x104x128xi32, #tpu.memory_space<hbm>>
      %dma_wait3A_299 = tpu.memref_squeeze %dma_wait3A_298 : memref<1x104x128xi32, #tpu.memory_space<hbm>> -> memref<104x128xi32, #tpu.memory_space<hbm>>
      tpu.wait_dma2 semaphore(%run_scoped3A : memref<!tpu.dma_semaphore, #tpu.memory_space<semaphore_mem>>) src(%dma_wait3A_299 : memref<104x128xi32, #tpu.memory_space<hbm>>) dst(%arg6 : memref<104x128xi32, #tpu.memory_space<vmem>>)
      tpu.yield
    }) : () -> ()
    "tpu.region"() ({
      %run_scoped3A = tpu.sem_alloc : memref<!tpu.dma_semaphore, #tpu.memory_space<semaphore_mem>>
      tpu.enqueue_dma source(%arg4 : memref<16xf32, #tpu.memory_space<hbm>>) target(%arg9 : memref<16xf32, #tpu.memory_space<vmem>>) target_semaphore(%run_scoped3A : memref<!tpu.dma_semaphore, #tpu.memory_space<semaphore_mem>>)
      tpu.wait_dma2 semaphore(%run_scoped3A : memref<!tpu.dma_semaphore, #tpu.memory_space<semaphore_mem>>) src(%arg4 : memref<16xf32, #tpu.memory_space<hbm>>) dst(%arg9 : memref<16xf32, #tpu.memory_space<vmem>>)
      tpu.yield
    }) : () -> ()
    %dma_start3A = arith.constant 0 : i32
    %dma_start3A_1 = arith.constant 0 : i32
    %dma_start3A_2 = arith.constant 0 : i32
    %dma_start3A_3 = arith.constant 0 : i32
    %dma_start3A_4 = arith.constant 0 : i32
    %dma_start3A_5 = tpu.memref_slice %arg7[%dma_start3A_3, %dma_start3A_4] : memref<104x128xf32, #tpu.memory_space<vmem>> -> memref<1x128xf32, #tpu.memory_space<vmem>>
    %dma_start3A_6 = tpu.memref_squeeze %dma_start3A_5 : memref<1x128xf32, #tpu.memory_space<vmem>> -> memref<128xf32, #tpu.memory_space<vmem>>
    %dma_start3A_7 = arith.constant 0 : i32
    %dma_start3A_8 = tpu.memref_slice %arg6[%dma_start3A_2, %dma_start3A_7] : memref<104x128xi32, #tpu.memory_space<vmem>> -> memref<1x128xi32, #tpu.memory_space<vmem>>
    %dma_start3A_9 = tpu.memref_squeeze %dma_start3A_8 : memref<1x128xi32, #tpu.memory_space<vmem>> -> memref<128xi32, #tpu.memory_space<vmem>>
    %dma_start3A_10 = arith.constant 0 : i32
    %dma_start3A_11 = tpu.memref_slice %arg3[%dma_start3A, %dma_start3A_1, %dma_start3A_10] : memref<26x1x1000000xf32, #tpu.memory_space<hbm>> -> memref<1x1x1000000xf32, #tpu.memory_space<hbm>>
    %dma_start3A_12 = tpu.memref_squeeze %dma_start3A_11 : memref<1x1x1000000xf32, #tpu.memory_space<hbm>> -> memref<1000000xf32, #tpu.memory_space<hbm>>
    %dma_start3A_13 = arith.constant 0 : i32
    %dma_start3A_14 = tpu.memref_slice %dma_start3A_12[%dma_start3A_13] : memref<1000000xf32, #tpu.memory_space<hbm>> -> memref<1000000xf32, #tpu.memory_space<hbm>>
    tpu.enqueue_indirect_dma source(%dma_start3A_14 : memref<1000000xf32, #tpu.memory_space<hbm>>) target(%dma_start3A_6 : memref<128xf32, #tpu.memory_space<vmem>>) offsets(%dma_start3A_9 : memref<128xi32, #tpu.memory_space<vmem>>) semaphore(%arg10 : memref<!tpu.dma_semaphore, #tpu.memory_space<semaphore_mem>>)
    %dma_start3A_15 = arith.constant 0 : i32
    %dma_start3A_16 = arith.constant 0 : i32
    %dma_start3A_17 = arith.constant 1 : i32
    %dma_start3A_18 = arith.constant 1 : i32
    %dma_start3A_19 = arith.constant 0 : i32
    %dma_start3A_20 = tpu.memref_slice %arg7[%dma_start3A_18, %dma_start3A_19] : memref<104x128xf32, #tpu.memory_space<vmem>> -> memref<1x128xf32, #tpu.memory_space<vmem>>
    %dma_start3A_21 = tpu.memref_squeeze %dma_start3A_20 : memref<1x128xf32, #tpu.memory_space<vmem>> -> memref<128xf32, #tpu.memory_space<vmem>>
    %dma_start3A_22 = arith.constant 0 : i32
    %dma_start3A_23 = tpu.memref_slice %arg6[%dma_start3A_17, %dma_start3A_22] : memref<104x128xi32, #tpu.memory_space<vmem>> -> memref<1x128xi32, #tpu.memory_space<vmem>>
    %dma_start3A_24 = tpu.memref_squeeze %dma_start3A_23 : memref<1x128xi32, #tpu.memory_space<vmem>> -> memref<128xi32, #tpu.memory_space<vmem>>
    %dma_start3A_25 = arith.constant 0 : i32
    %dma_start3A_26 = tpu.memref_slice %arg3[%dma_start3A_15, %dma_start3A_16, %dma_start3A_25] : memref<26x1x1000000xf32, #tpu.memory_space<hbm>> -> memref<1x1x1000000xf32, #tpu.memory_space<hbm>>
    %dma_start3A_27 = tpu.memref_squeeze %dma_start3A_26 : memref<1x1x1000000xf32, #tpu.memory_space<hbm>> -> memref<1000000xf32, #tpu.memory_space<hbm>>
    %dma_start3A_28 = arith.constant 0 : i32
    %dma_start3A_29 = tpu.memref_slice %dma_start3A_27[%dma_start3A_28] : memref<1000000xf32, #tpu.memory_space<hbm>> -> memref<1000000xf32, #tpu.memory_space<hbm>>
    tpu.enqueue_indirect_dma source(%dma_start3A_29 : memref<1000000xf32, #tpu.memory_space<hbm>>) target(%dma_start3A_21 : memref<128xf32, #tpu.memory_space<vmem>>) offsets(%dma_start3A_24 : memref<128xi32, #tpu.memory_space<vmem>>) semaphore(%arg10 : memref<!tpu.dma_semaphore, #tpu.memory_space<semaphore_mem>>)
    %dma_start3A_30 = arith.constant 0 : i32
    %dma_start3A_31 = arith.constant 0 : i32
    %dma_start3A_32 = arith.constant 2 : i32
    %dma_start3A_33 = arith.constant 2 : i32
    %dma_start3A_34 = arith.constant 0 : i32
    %dma_start3A_35 = tpu.memref_slice %arg7[%dma_start3A_33, %dma_start3A_34] : memref<104x128xf32, #tpu.memory_space<vmem>> -> memref<1x128xf32, #tpu.memory_space<vmem>>
    %dma_start3A_36 = tpu.memref_squeeze %dma_start3A_35 : memref<1x128xf32, #tpu.memory_space<vmem>> -> memref<128xf32, #tpu.memory_space<vmem>>
    %dma_start3A_37 = arith.constant 0 : i32
    %dma_start3A_38 = tpu.memref_slice %arg6[%dma_start3A_32, %dma_start3A_37] : memref<104x128xi32, #tpu.memory_space<vmem>> -> memref<1x128xi32, #tpu.memory_space<vmem>>
    %dma_start3A_39 = tpu.memref_squeeze %dma_start3A_38 : memref<1x128xi32, #tpu.memory_space<vmem>> -> memref<128xi32, #tpu.memory_space<vmem>>
    %dma_start3A_40 = arith.constant 0 : i32
    %dma_start3A_41 = tpu.memref_slice %arg3[%dma_start3A_30, %dma_start3A_31, %dma_start3A_40] : memref<26x1x1000000xf32, #tpu.memory_space<hbm>> -> memref<1x1x1000000xf32, #tpu.memory_space<hbm>>
    %dma_start3A_42 = tpu.memref_squeeze %dma_start3A_41 : memref<1x1x1000000xf32, #tpu.memory_space<hbm>> -> memref<1000000xf32, #tpu.memory_space<hbm>>
    %dma_start3A_43 = arith.constant 0 : i32
    %dma_start3A_44 = tpu.memref_slice %dma_start3A_42[%dma_start3A_43] : memref<1000000xf32, #tpu.memory_space<hbm>> -> memref<1000000xf32, #tpu.memory_space<hbm>>
    tpu.enqueue_indirect_dma source(%dma_start3A_44 : memref<1000000xf32, #tpu.memory_space<hbm>>) target(%dma_start3A_36 : memref<128xf32, #tpu.memory_space<vmem>>) offsets(%dma_start3A_39 : memref<128xi32, #tpu.memory_space<vmem>>) semaphore(%arg10 : memref<!tpu.dma_semaphore, #tpu.memory_space<semaphore_mem>>)
    %dma_start3A_45 = arith.constant 0 : i32
    %dma_start3A_46 = arith.constant 0 : i32
    %dma_start3A_47 = arith.constant 3 : i32
    %dma_start3A_48 = arith.constant 3 : i32
    %dma_start3A_49 = arith.constant 0 : i32
    %dma_start3A_50 = tpu.memref_slice %arg7[%dma_start3A_48, %dma_start3A_49] : memref<104x128xf32, #tpu.memory_space<vmem>> -> memref<1x128xf32, #tpu.memory_space<vmem>>
    %dma_start3A_51 = tpu.memref_squeeze %dma_start3A_50 : memref<1x128xf32, #tpu.memory_space<vmem>> -> memref<128xf32, #tpu.memory_space<vmem>>
    %dma_start3A_52 = arith.constant 0 : i32
    %dma_start3A_53 = tpu.memref_slice %arg6[%dma_start3A_47, %dma_start3A_52] : memref<104x128xi32, #tpu.memory_space<vmem>> -> memref<1x128xi32, #tpu.memory_space<vmem>>
    %dma_start3A_54 = tpu.memref_squeeze %dma_start3A_53 : memref<1x128xi32, #tpu.memory_space<vmem>> -> memref<128xi32, #tpu.memory_space<vmem>>
    %dma_start3A_55 = arith.constant 0 : i32
    %dma_start3A_56 = tpu.memref_slice %arg3[%dma_start3A_45, %dma_start3A_46, %dma_start3A_55] : memref<26x1x1000000xf32, #tpu.memory_space<hbm>> -> memref<1x1x1000000xf32, #tpu.memory_space<hbm>>
    %dma_start3A_57 = tpu.memref_squeeze %dma_start3A_56 : memref<1x1x1000000xf32, #tpu.memory_space<hbm>> -> memref<1000000xf32, #tpu.memory_space<hbm>>
    %dma_start3A_58 = arith.constant 0 : i32
    %dma_start3A_59 = tpu.memref_slice %dma_start3A_57[%dma_start3A_58] : memref<1000000xf32, #tpu.memory_space<hbm>> -> memref<1000000xf32, #tpu.memory_space<hbm>>
    tpu.enqueue_indirect_dma source(%dma_start3A_59 : memref<1000000xf32, #tpu.memory_space<hbm>>) target(%dma_start3A_51 : memref<128xf32, #tpu.memory_space<vmem>>) offsets(%dma_start3A_54 : memref<128xi32, #tpu.memory_space<vmem>>) semaphore(%arg10 : memref<!tpu.dma_semaphore, #tpu.memory_space<semaphore_mem>>)
    %dma_start3A_60 = arith.constant 1 : i32
    %dma_start3A_61 = arith.constant 0 : i32
    %dma_start3A_62 = arith.constant 4 : i32
    %dma_start3A_63 = arith.constant 4 : i32
    %dma_start3A_64 = arith.constant 0 : i32
    %dma_start3A_65 = tpu.memref_slice %arg7[%dma_start3A_63, %dma_start3A_64] : memref<104x128xf32, #tpu.memory_space<vmem>> -> memref<1x128xf32, #tpu.memory_space<vmem>>
    %dma_start3A_66 = tpu.memref_squeeze %dma_start3A_65 : memref<1x128xf32, #tpu.memory_space<vmem>> -> memref<128xf32, #tpu.memory_space<vmem>>
    %dma_start3A_67 = arith.constant 0 : i32
    %dma_start3A_68 = tpu.memref_slice %arg6[%dma_start3A_62, %dma_start3A_67] : memref<104x128xi32, #tpu.memory_space<vmem>> -> memref<1x128xi32, #tpu.memory_space<vmem>>
    %dma_start3A_69 = tpu.memref_squeeze %dma_start3A_68 : memref<1x128xi32, #tpu.memory_space<vmem>> -> memref<128xi32, #tpu.memory_space<vmem>>
    %dma_start3A_70 = arith.constant 0 : i32
    %dma_start3A_71 = tpu.memref_slice %arg3[%dma_start3A_60, %dma_start3A_61, %dma_start3A_70] : memref<26x1x1000000xf32, #tpu.memory_space<hbm>> -> memref<1x1x1000000xf32, #tpu.memory_space<hbm>>
    %dma_start3A_72 = tpu.memref_squeeze %dma_start3A_71 : memref<1x1x1000000xf32, #tpu.memory_space<hbm>> -> memref<1000000xf32, #tpu.memory_space<hbm>>
    %dma_start3A_73 = arith.constant 0 : i32
    %dma_start3A_74 = tpu.memref_slice %dma_start3A_72[%dma_start3A_73] : memref<1000000xf32, #tpu.memory_space<hbm>> -> memref<1000000xf32, #tpu.memory_space<hbm>>
    tpu.enqueue_indirect_dma source(%dma_start3A_74 : memref<1000000xf32, #tpu.memory_space<hbm>>) target(%dma_start3A_66 : memref<128xf32, #tpu.memory_space<vmem>>) offsets(%dma_start3A_69 : memref<128xi32, #tpu.memory_space<vmem>>) semaphore(%arg10 : memref<!tpu.dma_semaphore, #tpu.memory_space<semaphore_mem>>)
    %dma_start3A_75 = arith.constant 1 : i32
    %dma_start3A_76 = arith.constant 0 : i32
    %dma_start3A_77 = arith.constant 5 : i32
    %dma_start3A_78 = arith.constant 5 : i32
    %dma_start3A_79 = arith.constant 0 : i32
    %dma_start3A_80 = tpu.memref_slice %arg7[%dma_start3A_78, %dma_start3A_79] : memref<104x128xf32, #tpu.memory_space<vmem>> -> memref<1x128xf32, #tpu.memory_space<vmem>>
    %dma_start3A_81 = tpu.memref_squeeze %dma_start3A_80 : memref<1x128xf32, #tpu.memory_space<vmem>> -> memref<128xf32, #tpu.memory_space<vmem>>
    %dma_start3A_82 = arith.constant 0 : i32
    %dma_start3A_83 = tpu.memref_slice %arg6[%dma_start3A_77, %dma_start3A_82] : memref<104x128xi32, #tpu.memory_space<vmem>> -> memref<1x128xi32, #tpu.memory_space<vmem>>
    %dma_start3A_84 = tpu.memref_squeeze %dma_start3A_83 : memref<1x128xi32, #tpu.memory_space<vmem>> -> memref<128xi32, #tpu.memory_space<vmem>>
    %dma_start3A_85 = arith.constant 0 : i32
    %dma_start3A_86 = tpu.memref_slice %arg3[%dma_start3A_75, %dma_start3A_76, %dma_start3A_85] : memref<26x1x1000000xf32, #tpu.memory_space<hbm>> -> memref<1x1x1000000xf32, #tpu.memory_space<hbm>>
    %dma_start3A_87 = tpu.memref_squeeze %dma_start3A_86 : memref<1x1x1000000xf32, #tpu.memory_space<hbm>> -> memref<1000000xf32, #tpu.memory_space<hbm>>
    %dma_start3A_88 = arith.constant 0 : i32
    %dma_start3A_89 = tpu.memref_slice %dma_start3A_87[%dma_start3A_88] : memref<1000000xf32, #tpu.memory_space<hbm>> -> memref<1000000xf32, #tpu.memory_space<hbm>>
    tpu.enqueue_indirect_dma source(%dma_start3A_89 : memref<1000000xf32, #tpu.memory_space<hbm>>) target(%dma_start3A_81 : memref<128xf32, #tpu.memory_space<vmem>>) offsets(%dma_start3A_84 : memref<128xi32, #tpu.memory_space<vmem>>) semaphore(%arg10 : memref<!tpu.dma_semaphore, #tpu.memory_space<semaphore_mem>>)
    %dma_start3A_90 = arith.constant 1 : i32
    %dma_start3A_91 = arith.constant 0 : i32
    %dma_start3A_92 = arith.constant 6 : i32
    %dma_start3A_93 = arith.constant 6 : i32
    %dma_start3A_94 = arith.constant 0 : i32
    %dma_start3A_95 = tpu.memref_slice %arg7[%dma_start3A_93, %dma_start3A_94] : memref<104x128xf32, #tpu.memory_space<vmem>> -> memref<1x128xf32, #tpu.memory_space<vmem>>
    %dma_start3A_96 = tpu.memref_squeeze %dma_start3A_95 : memref<1x128xf32, #tpu.memory_space<vmem>> -> memref<128xf32, #tpu.memory_space<vmem>>
    %dma_start3A_97 = arith.constant 0 : i32
    %dma_start3A_98 = tpu.memref_slice %arg6[%dma_start3A_92, %dma_start3A_97] : memref<104x128xi32, #tpu.memory_space<vmem>> -> memref<1x128xi32, #tpu.memory_space<vmem>>
    %dma_start3A_99 = tpu.memref_squeeze %dma_start3A_98 : memref<1x128xi32, #tpu.memory_space<vmem>> -> memref<128xi32, #tpu.memory_space<vmem>>
    %dma_start3A_100 = arith.constant 0 : i32
    %dma_start3A_101 = tpu.memref_slice %arg3[%dma_start3A_90, %dma_start3A_91, %dma_start3A_100] : memref<26x1x1000000xf32, #tpu.memory_space<hbm>> -> memref<1x1x1000000xf32, #tpu.memory_space<hbm>>
    %dma_start3A_102 = tpu.memref_squeeze %dma_start3A_101 : memref<1x1x1000000xf32, #tpu.memory_space<hbm>> -> memref<1000000xf32, #tpu.memory_space<hbm>>
    %dma_start3A_103 = arith.constant 0 : i32
    %dma_start3A_104 = tpu.memref_slice %dma_start3A_102[%dma_start3A_103] : memref<1000000xf32, #tpu.memory_space<hbm>> -> memref<1000000xf32, #tpu.memory_space<hbm>>
    tpu.enqueue_indirect_dma source(%dma_start3A_104 : memref<1000000xf32, #tpu.memory_space<hbm>>) target(%dma_start3A_96 : memref<128xf32, #tpu.memory_space<vmem>>) offsets(%dma_start3A_99 : memref<128xi32, #tpu.memory_space<vmem>>) semaphore(%arg10 : memref<!tpu.dma_semaphore, #tpu.memory_space<semaphore_mem>>)
    %dma_start3A_105 = arith.constant 1 : i32
    %dma_start3A_106 = arith.constant 0 : i32
    %dma_start3A_107 = arith.constant 7 : i32
    %dma_start3A_108 = arith.constant 7 : i32
    %dma_start3A_109 = arith.constant 0 : i32
    %dma_start3A_110 = tpu.memref_slice %arg7[%dma_start3A_108, %dma_start3A_109] : memref<104x128xf32, #tpu.memory_space<vmem>> -> memref<1x128xf32, #tpu.memory_space<vmem>>
    %dma_start3A_111 = tpu.memref_squeeze %dma_start3A_110 : memref<1x128xf32, #tpu.memory_space<vmem>> -> memref<128xf32, #tpu.memory_space<vmem>>
    %dma_start3A_112 = arith.constant 0 : i32
    %dma_start3A_113 = tpu.memref_slice %arg6[%dma_start3A_107, %dma_start3A_112] : memref<104x128xi32, #tpu.memory_space<vmem>> -> memref<1x128xi32, #tpu.memory_space<vmem>>
    %dma_start3A_114 = tpu.memref_squeeze %dma_start3A_113 : memref<1x128xi32, #tpu.memory_space<vmem>> -> memref<128xi32, #tpu.memory_space<vmem>>
    %dma_start3A_115 = arith.constant 0 : i32
    %dma_start3A_116 = tpu.memref_slice %arg3[%dma_start3A_105, %dma_start3A_106, %dma_start3A_115] : memref<26x1x1000000xf32, #tpu.memory_space<hbm>> -> memref<1x1x1000000xf32, #tpu.memory_space<hbm>>
    %dma_start3A_117 = tpu.memref_squeeze %dma_start3A_116 : memref<1x1x1000000xf32, #tpu.memory_space<hbm>> -> memref<1000000xf32, #tpu.memory_space<hbm>>
    %dma_start3A_118 = arith.constant 0 : i32
    %dma_start3A_119 = tpu.memref_slice %dma_start3A_117[%dma_start3A_118] : memref<1000000xf32, #tpu.memory_space<hbm>> -> memref<1000000xf32, #tpu.memory_space<hbm>>
    tpu.enqueue_indirect_dma source(%dma_start3A_119 : memref<1000000xf32, #tpu.memory_space<hbm>>) target(%dma_start3A_111 : memref<128xf32, #tpu.memory_space<vmem>>) offsets(%dma_start3A_114 : memref<128xi32, #tpu.memory_space<vmem>>) semaphore(%arg10 : memref<!tpu.dma_semaphore, #tpu.memory_space<semaphore_mem>>)
    %scan3A = arith.constant 0 : i32
    %scan3A_120 = arith.constant 0 : i32
    %scan3A_121 = arith.constant 12 : i32
    %scan3A_122 = arith.addi %scan3A_120, %scan3A_121 : i32
    %scan3A_123 = arith.constant 1 : i32
    scf.for %scan3A_284 = %scan3A_120 to %scan3A_122 step %scan3A_123  : i32 {
      %add3A_285 = arith.constant 1 : i32
      %add3A_286 = arith.addi %scan3A_284, %add3A_285 : i32
      %mul3A_287 = arith.constant 8 : i32
      %mul3A_288 = arith.muli %add3A_286, %mul3A_287 : i32
      %add3A_289 = arith.constant 0 : i32
      %add3A_290 = arith.addi %mul3A_288, %add3A_289 : i32
      %jit3A = arith.constant 4 : i32
      %div3A = arith.divsi %add3A_290, %jit3A : i32
      %sign3A = arith.constant 0 : i32
      %sign3A_291 = arith.cmpi sgt, %add3A_290, %sign3A : i32
      %sign3A_292 = arith.extui %sign3A_291 : i1 to i32
      %sign3A_293 = arith.constant 0 : i32
      %sign3A_294 = arith.cmpi slt, %add3A_290, %sign3A_293 : i32
      %sign3A_295 = arith.extui %sign3A_294 : i1 to i32
      %sign3A_296 = arith.subi %sign3A_292, %sign3A_295 : i32
      %sign3A_297 = arith.constant 0 : i32
      %sign3A_298 = arith.cmpi sgt, %jit3A, %sign3A_297 : i32
      %sign3A_299 = arith.extui %sign3A_298 : i1 to i32
      %sign3A_300 = arith.constant 0 : i32
      %sign3A_301 = arith.cmpi slt, %jit3A, %sign3A_300 : i32
      %sign3A_302 = arith.extui %sign3A_301 : i1 to i32
      %sign3A_303 = arith.subi %sign3A_299, %sign3A_302 : i32
      %ne3A = arith.cmpi ne, %sign3A_296, %sign3A_303 : i32
      %rem3A = arith.remsi %add3A_290, %jit3A : i32
      %ne3A_304 = arith.constant 0 : i32
      %ne3A_305 = arith.cmpi ne, %rem3A, %ne3A_304 : i32
      %and3A = arith.andi %ne3A, %ne3A_305 : i1
      %sub3A = arith.constant 1 : i32
      %sub3A_306 = arith.subi %div3A, %sub3A : i32
      %select_n3A = arith.select %and3A, %sub3A_306, %div3A : i32
      %dma_start3A_307 = arith.constant 0 : i32
      %dma_start3A_308 = arith.constant 0 : i32
      %dma_start3A_309 = tpu.memref_slice %arg7[%add3A_290, %dma_start3A_308] : memref<104x128xf32, #tpu.memory_space<vmem>> -> memref<1x128xf32, #tpu.memory_space<vmem>>
      %dma_start3A_310 = tpu.memref_squeeze %dma_start3A_309 : memref<1x128xf32, #tpu.memory_space<vmem>> -> memref<128xf32, #tpu.memory_space<vmem>>
      %dma_start3A_311 = arith.constant 0 : i32
      %dma_start3A_312 = tpu.memref_slice %arg6[%add3A_290, %dma_start3A_311] : memref<104x128xi32, #tpu.memory_space<vmem>> -> memref<1x128xi32, #tpu.memory_space<vmem>>
      %dma_start3A_313 = tpu.memref_squeeze %dma_start3A_312 : memref<1x128xi32, #tpu.memory_space<vmem>> -> memref<128xi32, #tpu.memory_space<vmem>>
      %dma_start3A_314 = arith.constant 0 : i32
      %dma_start3A_315 = tpu.memref_slice %arg3[%select_n3A, %dma_start3A_307, %dma_start3A_314] : memref<26x1x1000000xf32, #tpu.memory_space<hbm>> -> memref<1x1x1000000xf32, #tpu.memory_space<hbm>>
      %dma_start3A_316 = tpu.memref_squeeze %dma_start3A_315 : memref<1x1x1000000xf32, #tpu.memory_space<hbm>> -> memref<1000000xf32, #tpu.memory_space<hbm>>
      %dma_start3A_317 = arith.constant 0 : i32
      %dma_start3A_318 = tpu.memref_slice %dma_start3A_316[%dma_start3A_317] : memref<1000000xf32, #tpu.memory_space<hbm>> -> memref<1000000xf32, #tpu.memory_space<hbm>>
      tpu.enqueue_indirect_dma source(%dma_start3A_318 : memref<1000000xf32, #tpu.memory_space<hbm>>) target(%dma_start3A_310 : memref<128xf32, #tpu.memory_space<vmem>>) offsets(%dma_start3A_313 : memref<128xi32, #tpu.memory_space<vmem>>) semaphore(%arg10 : memref<!tpu.dma_semaphore, #tpu.memory_space<semaphore_mem>>)
      %mul3A_319 = arith.constant 8 : i32
      %mul3A_320 = arith.muli %add3A_286, %mul3A_319 : i32
      %add3A_321 = arith.constant 1 : i32
      %add3A_322 = arith.addi %mul3A_320, %add3A_321 : i32
      %jit3A_323 = arith.constant 4 : i32
      %div3A_324 = arith.divsi %add3A_322, %jit3A_323 : i32
      %sign3A_325 = arith.constant 0 : i32
      %sign3A_326 = arith.cmpi sgt, %add3A_322, %sign3A_325 : i32
      %sign3A_327 = arith.extui %sign3A_326 : i1 to i32
      %sign3A_328 = arith.constant 0 : i32
      %sign3A_329 = arith.cmpi slt, %add3A_322, %sign3A_328 : i32
      %sign3A_330 = arith.extui %sign3A_329 : i1 to i32
      %sign3A_331 = arith.subi %sign3A_327, %sign3A_330 : i32
      %sign3A_332 = arith.constant 0 : i32
      %sign3A_333 = arith.cmpi sgt, %jit3A_323, %sign3A_332 : i32
      %sign3A_334 = arith.extui %sign3A_333 : i1 to i32
      %sign3A_335 = arith.constant 0 : i32
      %sign3A_336 = arith.cmpi slt, %jit3A_323, %sign3A_335 : i32
      %sign3A_337 = arith.extui %sign3A_336 : i1 to i32
      %sign3A_338 = arith.subi %sign3A_334, %sign3A_337 : i32
      %ne3A_339 = arith.cmpi ne, %sign3A_331, %sign3A_338 : i32
      %rem3A_340 = arith.remsi %add3A_322, %jit3A_323 : i32
      %ne3A_341 = arith.constant 0 : i32
      %ne3A_342 = arith.cmpi ne, %rem3A_340, %ne3A_341 : i32
      %and3A_343 = arith.andi %ne3A_339, %ne3A_342 : i1
      %sub3A_344 = arith.constant 1 : i32
      %sub3A_345 = arith.subi %div3A_324, %sub3A_344 : i32
      %select_n3A_346 = arith.select %and3A_343, %sub3A_345, %div3A_324 : i32
      %dma_start3A_347 = arith.constant 0 : i32
      %dma_start3A_348 = arith.constant 0 : i32
      %dma_start3A_349 = tpu.memref_slice %arg7[%add3A_322, %dma_start3A_348] : memref<104x128xf32, #tpu.memory_space<vmem>> -> memref<1x128xf32, #tpu.memory_space<vmem>>
      %dma_start3A_350 = tpu.memref_squeeze %dma_start3A_349 : memref<1x128xf32, #tpu.memory_space<vmem>> -> memref<128xf32, #tpu.memory_space<vmem>>
      %dma_start3A_351 = arith.constant 0 : i32
      %dma_start3A_352 = tpu.memref_slice %arg6[%add3A_322, %dma_start3A_351] : memref<104x128xi32, #tpu.memory_space<vmem>> -> memref<1x128xi32, #tpu.memory_space<vmem>>
      %dma_start3A_353 = tpu.memref_squeeze %dma_start3A_352 : memref<1x128xi32, #tpu.memory_space<vmem>> -> memref<128xi32, #tpu.memory_space<vmem>>
      %dma_start3A_354 = arith.constant 0 : i32
      %dma_start3A_355 = tpu.memref_slice %arg3[%select_n3A_346, %dma_start3A_347, %dma_start3A_354] : memref<26x1x1000000xf32, #tpu.memory_space<hbm>> -> memref<1x1x1000000xf32, #tpu.memory_space<hbm>>
      %dma_start3A_356 = tpu.memref_squeeze %dma_start3A_355 : memref<1x1x1000000xf32, #tpu.memory_space<hbm>> -> memref<1000000xf32, #tpu.memory_space<hbm>>
      %dma_start3A_357 = arith.constant 0 : i32
      %dma_start3A_358 = tpu.memref_slice %dma_start3A_356[%dma_start3A_357] : memref<1000000xf32, #tpu.memory_space<hbm>> -> memref<1000000xf32, #tpu.memory_space<hbm>>
      tpu.enqueue_indirect_dma source(%dma_start3A_358 : memref<1000000xf32, #tpu.memory_space<hbm>>) target(%dma_start3A_350 : memref<128xf32, #tpu.memory_space<vmem>>) offsets(%dma_start3A_353 : memref<128xi32, #tpu.memory_space<vmem>>) semaphore(%arg10 : memref<!tpu.dma_semaphore, #tpu.memory_space<semaphore_mem>>)
      %mul3A_359 = arith.constant 8 : i32
      %mul3A_360 = arith.muli %add3A_286, %mul3A_359 : i32
      %add3A_361 = arith.constant 2 : i32
      %add3A_362 = arith.addi %mul3A_360, %add3A_361 : i32
      %jit3A_363 = arith.constant 4 : i32
      %div3A_364 = arith.divsi %add3A_362, %jit3A_363 : i32
      %sign3A_365 = arith.constant 0 : i32
      %sign3A_366 = arith.cmpi sgt, %add3A_362, %sign3A_365 : i32
      %sign3A_367 = arith.extui %sign3A_366 : i1 to i32
      %sign3A_368 = arith.constant 0 : i32
      %sign3A_369 = arith.cmpi slt, %add3A_362, %sign3A_368 : i32
      %sign3A_370 = arith.extui %sign3A_369 : i1 to i32
      %sign3A_371 = arith.subi %sign3A_367, %sign3A_370 : i32
      %sign3A_372 = arith.constant 0 : i32
      %sign3A_373 = arith.cmpi sgt, %jit3A_363, %sign3A_372 : i32
      %sign3A_374 = arith.extui %sign3A_373 : i1 to i32
      %sign3A_375 = arith.constant 0 : i32
      %sign3A_376 = arith.cmpi slt, %jit3A_363, %sign3A_375 : i32
      %sign3A_377 = arith.extui %sign3A_376 : i1 to i32
      %sign3A_378 = arith.subi %sign3A_374, %sign3A_377 : i32
      %ne3A_379 = arith.cmpi ne, %sign3A_371, %sign3A_378 : i32
      %rem3A_380 = arith.remsi %add3A_362, %jit3A_363 : i32
      %ne3A_381 = arith.constant 0 : i32
      %ne3A_382 = arith.cmpi ne, %rem3A_380, %ne3A_381 : i32
      %and3A_383 = arith.andi %ne3A_379, %ne3A_382 : i1
      %sub3A_384 = arith.constant 1 : i32
      %sub3A_385 = arith.subi %div3A_364, %sub3A_384 : i32
      %select_n3A_386 = arith.select %and3A_383, %sub3A_385, %div3A_364 : i32
      %dma_start3A_387 = arith.constant 0 : i32
      %dma_start3A_388 = arith.constant 0 : i32
      %dma_start3A_389 = tpu.memref_slice %arg7[%add3A_362, %dma_start3A_388] : memref<104x128xf32, #tpu.memory_space<vmem>> -> memref<1x128xf32, #tpu.memory_space<vmem>>
      %dma_start3A_390 = tpu.memref_squeeze %dma_start3A_389 : memref<1x128xf32, #tpu.memory_space<vmem>> -> memref<128xf32, #tpu.memory_space<vmem>>
      %dma_start3A_391 = arith.constant 0 : i32
      %dma_start3A_392 = tpu.memref_slice %arg6[%add3A_362, %dma_start3A_391] : memref<104x128xi32, #tpu.memory_space<vmem>> -> memref<1x128xi32, #tpu.memory_space<vmem>>
      %dma_start3A_393 = tpu.memref_squeeze %dma_start3A_392 : memref<1x128xi32, #tpu.memory_space<vmem>> -> memref<128xi32, #tpu.memory_space<vmem>>
      %dma_start3A_394 = arith.constant 0 : i32
      %dma_start3A_395 = tpu.memref_slice %arg3[%select_n3A_386, %dma_start3A_387, %dma_start3A_394] : memref<26x1x1000000xf32, #tpu.memory_space<hbm>> -> memref<1x1x1000000xf32, #tpu.memory_space<hbm>>
      %dma_start3A_396 = tpu.memref_squeeze %dma_start3A_395 : memref<1x1x1000000xf32, #tpu.memory_space<hbm>> -> memref<1000000xf32, #tpu.memory_space<hbm>>
      %dma_start3A_397 = arith.constant 0 : i32
      %dma_start3A_398 = tpu.memref_slice %dma_start3A_396[%dma_start3A_397] : memref<1000000xf32, #tpu.memory_space<hbm>> -> memref<1000000xf32, #tpu.memory_space<hbm>>
      tpu.enqueue_indirect_dma source(%dma_start3A_398 : memref<1000000xf32, #tpu.memory_space<hbm>>) target(%dma_start3A_390 : memref<128xf32, #tpu.memory_space<vmem>>) offsets(%dma_start3A_393 : memref<128xi32, #tpu.memory_space<vmem>>) semaphore(%arg10 : memref<!tpu.dma_semaphore, #tpu.memory_space<semaphore_mem>>)
      %mul3A_399 = arith.constant 8 : i32
      %mul3A_400 = arith.muli %add3A_286, %mul3A_399 : i32
      %add3A_401 = arith.constant 3 : i32
      %add3A_402 = arith.addi %mul3A_400, %add3A_401 : i32
      %jit3A_403 = arith.constant 4 : i32
      %div3A_404 = arith.divsi %add3A_402, %jit3A_403 : i32
      %sign3A_405 = arith.constant 0 : i32
      %sign3A_406 = arith.cmpi sgt, %add3A_402, %sign3A_405 : i32
      %sign3A_407 = arith.extui %sign3A_406 : i1 to i32
      %sign3A_408 = arith.constant 0 : i32
      %sign3A_409 = arith.cmpi slt, %add3A_402, %sign3A_408 : i32
      %sign3A_410 = arith.extui %sign3A_409 : i1 to i32
      %sign3A_411 = arith.subi %sign3A_407, %sign3A_410 : i32
      %sign3A_412 = arith.constant 0 : i32
      %sign3A_413 = arith.cmpi sgt, %jit3A_403, %sign3A_412 : i32
      %sign3A_414 = arith.extui %sign3A_413 : i1 to i32
      %sign3A_415 = arith.constant 0 : i32
      %sign3A_416 = arith.cmpi slt, %jit3A_403, %sign3A_415 : i32
      %sign3A_417 = arith.extui %sign3A_416 : i1 to i32
      %sign3A_418 = arith.subi %sign3A_414, %sign3A_417 : i32
      %ne3A_419 = arith.cmpi ne, %sign3A_411, %sign3A_418 : i32
      %rem3A_420 = arith.remsi %add3A_402, %jit3A_403 : i32
      %ne3A_421 = arith.constant 0 : i32
      %ne3A_422 = arith.cmpi ne, %rem3A_420, %ne3A_421 : i32
      %and3A_423 = arith.andi %ne3A_419, %ne3A_422 : i1
      %sub3A_424 = arith.constant 1 : i32
      %sub3A_425 = arith.subi %div3A_404, %sub3A_424 : i32
      %select_n3A_426 = arith.select %and3A_423, %sub3A_425, %div3A_404 : i32
      %dma_start3A_427 = arith.constant 0 : i32
      %dma_start3A_428 = arith.constant 0 : i32
      %dma_start3A_429 = tpu.memref_slice %arg7[%add3A_402, %dma_start3A_428] : memref<104x128xf32, #tpu.memory_space<vmem>> -> memref<1x128xf32, #tpu.memory_space<vmem>>
      %dma_start3A_430 = tpu.memref_squeeze %dma_start3A_429 : memref<1x128xf32, #tpu.memory_space<vmem>> -> memref<128xf32, #tpu.memory_space<vmem>>
      %dma_start3A_431 = arith.constant 0 : i32
      %dma_start3A_432 = tpu.memref_slice %arg6[%add3A_402, %dma_start3A_431] : memref<104x128xi32, #tpu.memory_space<vmem>> -> memref<1x128xi32, #tpu.memory_space<vmem>>
      %dma_start3A_433 = tpu.memref_squeeze %dma_start3A_432 : memref<1x128xi32, #tpu.memory_space<vmem>> -> memref<128xi32, #tpu.memory_space<vmem>>
      %dma_start3A_434 = arith.constant 0 : i32
      %dma_start3A_435 = tpu.memref_slice %arg3[%select_n3A_426, %dma_start3A_427, %dma_start3A_434] : memref<26x1x1000000xf32, #tpu.memory_space<hbm>> -> memref<1x1x1000000xf32, #tpu.memory_space<hbm>>
      %dma_start3A_436 = tpu.memref_squeeze %dma_start3A_435 : memref<1x1x1000000xf32, #tpu.memory_space<hbm>> -> memref<1000000xf32, #tpu.memory_space<hbm>>
      %dma_start3A_437 = arith.constant 0 : i32
      %dma_start3A_438 = tpu.memref_slice %dma_start3A_436[%dma_start3A_437] : memref<1000000xf32, #tpu.memory_space<hbm>> -> memref<1000000xf32, #tpu.memory_space<hbm>>
      tpu.enqueue_indirect_dma source(%dma_start3A_438 : memref<1000000xf32, #tpu.memory_space<hbm>>) target(%dma_start3A_430 : memref<128xf32, #tpu.memory_space<vmem>>) offsets(%dma_start3A_433 : memref<128xi32, #tpu.memory_space<vmem>>) semaphore(%arg10 : memref<!tpu.dma_semaphore, #tpu.memory_space<semaphore_mem>>)
      %mul3A_439 = arith.constant 8 : i32
      %mul3A_440 = arith.muli %add3A_286, %mul3A_439 : i32
      %add3A_441 = arith.constant 4 : i32
      %add3A_442 = arith.addi %mul3A_440, %add3A_441 : i32
      %jit3A_443 = arith.constant 4 : i32
      %div3A_444 = arith.divsi %add3A_442, %jit3A_443 : i32
      %sign3A_445 = arith.constant 0 : i32
      %sign3A_446 = arith.cmpi sgt, %add3A_442, %sign3A_445 : i32
      %sign3A_447 = arith.extui %sign3A_446 : i1 to i32
      %sign3A_448 = arith.constant 0 : i32
      %sign3A_449 = arith.cmpi slt, %add3A_442, %sign3A_448 : i32
      %sign3A_450 = arith.extui %sign3A_449 : i1 to i32
      %sign3A_451 = arith.subi %sign3A_447, %sign3A_450 : i32
      %sign3A_452 = arith.constant 0 : i32
      %sign3A_453 = arith.cmpi sgt, %jit3A_443, %sign3A_452 : i32
      %sign3A_454 = arith.extui %sign3A_453 : i1 to i32
      %sign3A_455 = arith.constant 0 : i32
      %sign3A_456 = arith.cmpi slt, %jit3A_443, %sign3A_455 : i32
      %sign3A_457 = arith.extui %sign3A_456 : i1 to i32
      %sign3A_458 = arith.subi %sign3A_454, %sign3A_457 : i32
      %ne3A_459 = arith.cmpi ne, %sign3A_451, %sign3A_458 : i32
      %rem3A_460 = arith.remsi %add3A_442, %jit3A_443 : i32
      %ne3A_461 = arith.constant 0 : i32
      %ne3A_462 = arith.cmpi ne, %rem3A_460, %ne3A_461 : i32
      %and3A_463 = arith.andi %ne3A_459, %ne3A_462 : i1
      %sub3A_464 = arith.constant 1 : i32
      %sub3A_465 = arith.subi %div3A_444, %sub3A_464 : i32
      %select_n3A_466 = arith.select %and3A_463, %sub3A_465, %div3A_444 : i32
      %dma_start3A_467 = arith.constant 0 : i32
      %dma_start3A_468 = arith.constant 0 : i32
      %dma_start3A_469 = tpu.memref_slice %arg7[%add3A_442, %dma_start3A_468] : memref<104x128xf32, #tpu.memory_space<vmem>> -> memref<1x128xf32, #tpu.memory_space<vmem>>
      %dma_start3A_470 = tpu.memref_squeeze %dma_start3A_469 : memref<1x128xf32, #tpu.memory_space<vmem>> -> memref<128xf32, #tpu.memory_space<vmem>>
      %dma_start3A_471 = arith.constant 0 : i32
      %dma_start3A_472 = tpu.memref_slice %arg6[%add3A_442, %dma_start3A_471] : memref<104x128xi32, #tpu.memory_space<vmem>> -> memref<1x128xi32, #tpu.memory_space<vmem>>
      %dma_start3A_473 = tpu.memref_squeeze %dma_start3A_472 : memref<1x128xi32, #tpu.memory_space<vmem>> -> memref<128xi32, #tpu.memory_space<vmem>>
      %dma_start3A_474 = arith.constant 0 : i32
      %dma_start3A_475 = tpu.memref_slice %arg3[%select_n3A_466, %dma_start3A_467, %dma_start3A_474] : memref<26x1x1000000xf32, #tpu.memory_space<hbm>> -> memref<1x1x1000000xf32, #tpu.memory_space<hbm>>
      %dma_start3A_476 = tpu.memref_squeeze %dma_start3A_475 : memref<1x1x1000000xf32, #tpu.memory_space<hbm>> -> memref<1000000xf32, #tpu.memory_space<hbm>>
      %dma_start3A_477 = arith.constant 0 : i32
      %dma_start3A_478 = tpu.memref_slice %dma_start3A_476[%dma_start3A_477] : memref<1000000xf32, #tpu.memory_space<hbm>> -> memref<1000000xf32, #tpu.memory_space<hbm>>
      tpu.enqueue_indirect_dma source(%dma_start3A_478 : memref<1000000xf32, #tpu.memory_space<hbm>>) target(%dma_start3A_470 : memref<128xf32, #tpu.memory_space<vmem>>) offsets(%dma_start3A_473 : memref<128xi32, #tpu.memory_space<vmem>>) semaphore(%arg10 : memref<!tpu.dma_semaphore, #tpu.memory_space<semaphore_mem>>)
      %mul3A_479 = arith.constant 8 : i32
      %mul3A_480 = arith.muli %add3A_286, %mul3A_479 : i32
      %add3A_481 = arith.constant 5 : i32
      %add3A_482 = arith.addi %mul3A_480, %add3A_481 : i32
      %jit3A_483 = arith.constant 4 : i32
      %div3A_484 = arith.divsi %add3A_482, %jit3A_483 : i32
      %sign3A_485 = arith.constant 0 : i32
      %sign3A_486 = arith.cmpi sgt, %add3A_482, %sign3A_485 : i32
      %sign3A_487 = arith.extui %sign3A_486 : i1 to i32
      %sign3A_488 = arith.constant 0 : i32
      %sign3A_489 = arith.cmpi slt, %add3A_482, %sign3A_488 : i32
      %sign3A_490 = arith.extui %sign3A_489 : i1 to i32
      %sign3A_491 = arith.subi %sign3A_487, %sign3A_490 : i32
      %sign3A_492 = arith.constant 0 : i32
      %sign3A_493 = arith.cmpi sgt, %jit3A_483, %sign3A_492 : i32
      %sign3A_494 = arith.extui %sign3A_493 : i1 to i32
      %sign3A_495 = arith.constant 0 : i32
      %sign3A_496 = arith.cmpi slt, %jit3A_483, %sign3A_495 : i32
      %sign3A_497 = arith.extui %sign3A_496 : i1 to i32
      %sign3A_498 = arith.subi %sign3A_494, %sign3A_497 : i32
      %ne3A_499 = arith.cmpi ne, %sign3A_491, %sign3A_498 : i32
      %rem3A_500 = arith.remsi %add3A_482, %jit3A_483 : i32
      %ne3A_501 = arith.constant 0 : i32
      %ne3A_502 = arith.cmpi ne, %rem3A_500, %ne3A_501 : i32
      %and3A_503 = arith.andi %ne3A_499, %ne3A_502 : i1
      %sub3A_504 = arith.constant 1 : i32
      %sub3A_505 = arith.subi %div3A_484, %sub3A_504 : i32
      %select_n3A_506 = arith.select %and3A_503, %sub3A_505, %div3A_484 : i32
      %dma_start3A_507 = arith.constant 0 : i32
      %dma_start3A_508 = arith.constant 0 : i32
      %dma_start3A_509 = tpu.memref_slice %arg7[%add3A_482, %dma_start3A_508] : memref<104x128xf32, #tpu.memory_space<vmem>> -> memref<1x128xf32, #tpu.memory_space<vmem>>
      %dma_start3A_510 = tpu.memref_squeeze %dma_start3A_509 : memref<1x128xf32, #tpu.memory_space<vmem>> -> memref<128xf32, #tpu.memory_space<vmem>>
      %dma_start3A_511 = arith.constant 0 : i32
      %dma_start3A_512 = tpu.memref_slice %arg6[%add3A_482, %dma_start3A_511] : memref<104x128xi32, #tpu.memory_space<vmem>> -> memref<1x128xi32, #tpu.memory_space<vmem>>
      %dma_start3A_513 = tpu.memref_squeeze %dma_start3A_512 : memref<1x128xi32, #tpu.memory_space<vmem>> -> memref<128xi32, #tpu.memory_space<vmem>>
      %dma_start3A_514 = arith.constant 0 : i32
      %dma_start3A_515 = tpu.memref_slice %arg3[%select_n3A_506, %dma_start3A_507, %dma_start3A_514] : memref<26x1x1000000xf32, #tpu.memory_space<hbm>> -> memref<1x1x1000000xf32, #tpu.memory_space<hbm>>
      %dma_start3A_516 = tpu.memref_squeeze %dma_start3A_515 : memref<1x1x1000000xf32, #tpu.memory_space<hbm>> -> memref<1000000xf32, #tpu.memory_space<hbm>>
      %dma_start3A_517 = arith.constant 0 : i32
      %dma_start3A_518 = tpu.memref_slice %dma_start3A_516[%dma_start3A_517] : memref<1000000xf32, #tpu.memory_space<hbm>> -> memref<1000000xf32, #tpu.memory_space<hbm>>
      tpu.enqueue_indirect_dma source(%dma_start3A_518 : memref<1000000xf32, #tpu.memory_space<hbm>>) target(%dma_start3A_510 : memref<128xf32, #tpu.memory_space<vmem>>) offsets(%dma_start3A_513 : memref<128xi32, #tpu.memory_space<vmem>>) semaphore(%arg10 : memref<!tpu.dma_semaphore, #tpu.memory_space<semaphore_mem>>)
      %mul3A_519 = arith.constant 8 : i32
      %mul3A_520 = arith.muli %add3A_286, %mul3A_519 : i32
      %add3A_521 = arith.constant 6 : i32
      %add3A_522 = arith.addi %mul3A_520, %add3A_521 : i32
      %jit3A_523 = arith.constant 4 : i32
      %div3A_524 = arith.divsi %add3A_522, %jit3A_523 : i32
      %sign3A_525 = arith.constant 0 : i32
      %sign3A_526 = arith.cmpi sgt, %add3A_522, %sign3A_525 : i32
      %sign3A_527 = arith.extui %sign3A_526 : i1 to i32
      %sign3A_528 = arith.constant 0 : i32
      %sign3A_529 = arith.cmpi slt, %add3A_522, %sign3A_528 : i32
      %sign3A_530 = arith.extui %sign3A_529 : i1 to i32
      %sign3A_531 = arith.subi %sign3A_527, %sign3A_530 : i32
      %sign3A_532 = arith.constant 0 : i32
      %sign3A_533 = arith.cmpi sgt, %jit3A_523, %sign3A_532 : i32
      %sign3A_534 = arith.extui %sign3A_533 : i1 to i32
      %sign3A_535 = arith.constant 0 : i32
      %sign3A_536 = arith.cmpi slt, %jit3A_523, %sign3A_535 : i32
      %sign3A_537 = arith.extui %sign3A_536 : i1 to i32
      %sign3A_538 = arith.subi %sign3A_534, %sign3A_537 : i32
      %ne3A_539 = arith.cmpi ne, %sign3A_531, %sign3A_538 : i32
      %rem3A_540 = arith.remsi %add3A_522, %jit3A_523 : i32
      %ne3A_541 = arith.constant 0 : i32
      %ne3A_542 = arith.cmpi ne, %rem3A_540, %ne3A_541 : i32
      %and3A_543 = arith.andi %ne3A_539, %ne3A_542 : i1
      %sub3A_544 = arith.constant 1 : i32
      %sub3A_545 = arith.subi %div3A_524, %sub3A_544 : i32
      %select_n3A_546 = arith.select %and3A_543, %sub3A_545, %div3A_524 : i32
      %dma_start3A_547 = arith.constant 0 : i32
      %dma_start3A_548 = arith.constant 0 : i32
      %dma_start3A_549 = tpu.memref_slice %arg7[%add3A_522, %dma_start3A_548] : memref<104x128xf32, #tpu.memory_space<vmem>> -> memref<1x128xf32, #tpu.memory_space<vmem>>
      %dma_start3A_550 = tpu.memref_squeeze %dma_start3A_549 : memref<1x128xf32, #tpu.memory_space<vmem>> -> memref<128xf32, #tpu.memory_space<vmem>>
      %dma_start3A_551 = arith.constant 0 : i32
      %dma_start3A_552 = tpu.memref_slice %arg6[%add3A_522, %dma_start3A_551] : memref<104x128xi32, #tpu.memory_space<vmem>> -> memref<1x128xi32, #tpu.memory_space<vmem>>
      %dma_start3A_553 = tpu.memref_squeeze %dma_start3A_552 : memref<1x128xi32, #tpu.memory_space<vmem>> -> memref<128xi32, #tpu.memory_space<vmem>>
      %dma_start3A_554 = arith.constant 0 : i32
      %dma_start3A_555 = tpu.memref_slice %arg3[%select_n3A_546, %dma_start3A_547, %dma_start3A_554] : memref<26x1x1000000xf32, #tpu.memory_space<hbm>> -> memref<1x1x1000000xf32, #tpu.memory_space<hbm>>
      %dma_start3A_556 = tpu.memref_squeeze %dma_start3A_555 : memref<1x1x1000000xf32, #tpu.memory_space<hbm>> -> memref<1000000xf32, #tpu.memory_space<hbm>>
      %dma_start3A_557 = arith.constant 0 : i32
      %dma_start3A_558 = tpu.memref_slice %dma_start3A_556[%dma_start3A_557] : memref<1000000xf32, #tpu.memory_space<hbm>> -> memref<1000000xf32, #tpu.memory_space<hbm>>
      tpu.enqueue_indirect_dma source(%dma_start3A_558 : memref<1000000xf32, #tpu.memory_space<hbm>>) target(%dma_start3A_550 : memref<128xf32, #tpu.memory_space<vmem>>) offsets(%dma_start3A_553 : memref<128xi32, #tpu.memory_space<vmem>>) semaphore(%arg10 : memref<!tpu.dma_semaphore, #tpu.memory_space<semaphore_mem>>)
      %mul3A_559 = arith.constant 8 : i32
      %mul3A_560 = arith.muli %add3A_286, %mul3A_559 : i32
      %add3A_561 = arith.constant 7 : i32
      %add3A_562 = arith.addi %mul3A_560, %add3A_561 : i32
      %jit3A_563 = arith.constant 4 : i32
      %div3A_564 = arith.divsi %add3A_562, %jit3A_563 : i32
      %sign3A_565 = arith.constant 0 : i32
      %sign3A_566 = arith.cmpi sgt, %add3A_562, %sign3A_565 : i32
      %sign3A_567 = arith.extui %sign3A_566 : i1 to i32
      %sign3A_568 = arith.constant 0 : i32
      %sign3A_569 = arith.cmpi slt, %add3A_562, %sign3A_568 : i32
      %sign3A_570 = arith.extui %sign3A_569 : i1 to i32
      %sign3A_571 = arith.subi %sign3A_567, %sign3A_570 : i32
      %sign3A_572 = arith.constant 0 : i32
      %sign3A_573 = arith.cmpi sgt, %jit3A_563, %sign3A_572 : i32
      %sign3A_574 = arith.extui %sign3A_573 : i1 to i32
      %sign3A_575 = arith.constant 0 : i32
      %sign3A_576 = arith.cmpi slt, %jit3A_563, %sign3A_575 : i32
      %sign3A_577 = arith.extui %sign3A_576 : i1 to i32
      %sign3A_578 = arith.subi %sign3A_574, %sign3A_577 : i32
      %ne3A_579 = arith.cmpi ne, %sign3A_571, %sign3A_578 : i32
      %rem3A_580 = arith.remsi %add3A_562, %jit3A_563 : i32
      %ne3A_581 = arith.constant 0 : i32
      %ne3A_582 = arith.cmpi ne, %rem3A_580, %ne3A_581 : i32
      %and3A_583 = arith.andi %ne3A_579, %ne3A_582 : i1
      %sub3A_584 = arith.constant 1 : i32
      %sub3A_585 = arith.subi %div3A_564, %sub3A_584 : i32
      %select_n3A_586 = arith.select %and3A_583, %sub3A_585, %div3A_564 : i32
      %dma_start3A_587 = arith.constant 0 : i32
      %dma_start3A_588 = arith.constant 0 : i32
      %dma_start3A_589 = tpu.memref_slice %arg7[%add3A_562, %dma_start3A_588] : memref<104x128xf32, #tpu.memory_space<vmem>> -> memref<1x128xf32, #tpu.memory_space<vmem>>
      %dma_start3A_590 = tpu.memref_squeeze %dma_start3A_589 : memref<1x128xf32, #tpu.memory_space<vmem>> -> memref<128xf32, #tpu.memory_space<vmem>>
      %dma_start3A_591 = arith.constant 0 : i32
      %dma_start3A_592 = tpu.memref_slice %arg6[%add3A_562, %dma_start3A_591] : memref<104x128xi32, #tpu.memory_space<vmem>> -> memref<1x128xi32, #tpu.memory_space<vmem>>
      %dma_start3A_593 = tpu.memref_squeeze %dma_start3A_592 : memref<1x128xi32, #tpu.memory_space<vmem>> -> memref<128xi32, #tpu.memory_space<vmem>>
      %dma_start3A_594 = arith.constant 0 : i32
      %dma_start3A_595 = tpu.memref_slice %arg3[%select_n3A_586, %dma_start3A_587, %dma_start3A_594] : memref<26x1x1000000xf32, #tpu.memory_space<hbm>> -> memref<1x1x1000000xf32, #tpu.memory_space<hbm>>
      %dma_start3A_596 = tpu.memref_squeeze %dma_start3A_595 : memref<1x1x1000000xf32, #tpu.memory_space<hbm>> -> memref<1000000xf32, #tpu.memory_space<hbm>>
      %dma_start3A_597 = arith.constant 0 : i32
      %dma_start3A_598 = tpu.memref_slice %dma_start3A_596[%dma_start3A_597] : memref<1000000xf32, #tpu.memory_space<hbm>> -> memref<1000000xf32, #tpu.memory_space<hbm>>
      tpu.enqueue_indirect_dma source(%dma_start3A_598 : memref<1000000xf32, #tpu.memory_space<hbm>>) target(%dma_start3A_590 : memref<128xf32, #tpu.memory_space<vmem>>) offsets(%dma_start3A_593 : memref<128xi32, #tpu.memory_space<vmem>>) semaphore(%arg10 : memref<!tpu.dma_semaphore, #tpu.memory_space<semaphore_mem>>)
      %mul3A_599 = arith.constant 8 : i32
      %mul3A_600 = arith.muli %scan3A_284, %mul3A_599 : i32
      %add3A_601 = arith.constant 0 : i32
      %add3A_602 = arith.addi %mul3A_600, %add3A_601 : i32
      %dma_wait3A_603 = arith.constant 0 : i32
      %dma_wait3A_604 = arith.constant 0 : i32
      %dma_wait3A_605 = arith.constant 0 : i32
      %dma_wait3A_606 = tpu.memref_slice %arg7[%add3A_602, %dma_wait3A_605] : memref<104x128xf32, #tpu.memory_space<vmem>> -> memref<1x128xf32, #tpu.memory_space<vmem>>
      %dma_wait3A_607 = tpu.memref_squeeze %dma_wait3A_606 : memref<1x128xf32, #tpu.memory_space<vmem>> -> memref<128xf32, #tpu.memory_space<vmem>>
      %dma_wait3A_608 = arith.constant 0 : i32
      %dma_wait3A_609 = tpu.memref_slice %arg3[%dma_wait3A_603, %dma_wait3A_604, %dma_wait3A_608] : memref<26x1x1000000xf32, #tpu.memory_space<hbm>> -> memref<1x1x1000000xf32, #tpu.memory_space<hbm>>
      %dma_wait3A_610 = tpu.memref_squeeze %dma_wait3A_609 : memref<1x1x1000000xf32, #tpu.memory_space<hbm>> -> memref<1000000xf32, #tpu.memory_space<hbm>>
      %dma_wait3A_611 = arith.constant 0 : i32
      %dma_wait3A_612 = tpu.memref_slice %dma_wait3A_610[%dma_wait3A_611] : memref<1000000xf32, #tpu.memory_space<hbm>> -> memref<128xf32, #tpu.memory_space<hbm>>
      %dma_wait3A_613 = arith.constant 0 : i32
      %dma_wait3A_614 = tpu.memref_slice %arg7[%add3A_602, %dma_wait3A_613] : memref<104x128xf32, #tpu.memory_space<vmem>> -> memref<1x128xf32, #tpu.memory_space<vmem>>
      %dma_wait3A_615 = tpu.memref_squeeze %dma_wait3A_614 : memref<1x128xf32, #tpu.memory_space<vmem>> -> memref<128xf32, #tpu.memory_space<vmem>>
      %dma_wait3A_616 = arith.constant 0 : i32
      %dma_wait3A_617 = tpu.memref_slice %arg3[%dma_wait3A_603, %dma_wait3A_604, %dma_wait3A_616] : memref<26x1x1000000xf32, #tpu.memory_space<hbm>> -> memref<1x1x1000000xf32, #tpu.memory_space<hbm>>
      %dma_wait3A_618 = tpu.memref_squeeze %dma_wait3A_617 : memref<1x1x1000000xf32, #tpu.memory_space<hbm>> -> memref<1000000xf32, #tpu.memory_space<hbm>>
      %dma_wait3A_619 = arith.constant 0 : i32
      %dma_wait3A_620 = tpu.memref_slice %dma_wait3A_618[%dma_wait3A_619] : memref<1000000xf32, #tpu.memory_space<hbm>> -> memref<128xf32, #tpu.memory_space<hbm>>
      tpu.wait_dma2 semaphore(%arg10 : memref<!tpu.dma_semaphore, #tpu.memory_space<semaphore_mem>>) src(%dma_wait3A_620 : memref<128xf32, #tpu.memory_space<hbm>>) dst(%dma_wait3A_615 : memref<128xf32, #tpu.memory_space<vmem>>)
      %mul3A_621 = arith.constant 8 : i32
      %mul3A_622 = arith.muli %scan3A_284, %mul3A_621 : i32
      %add3A_623 = arith.constant 1 : i32
      %add3A_624 = arith.addi %mul3A_622, %add3A_623 : i32
      %dma_wait3A_625 = arith.constant 0 : i32
      %dma_wait3A_626 = arith.constant 0 : i32
      %dma_wait3A_627 = arith.constant 0 : i32
      %dma_wait3A_628 = tpu.memref_slice %arg7[%add3A_624, %dma_wait3A_627] : memref<104x128xf32, #tpu.memory_space<vmem>> -> memref<1x128xf32, #tpu.memory_space<vmem>>
      %dma_wait3A_629 = tpu.memref_squeeze %dma_wait3A_628 : memref<1x128xf32, #tpu.memory_space<vmem>> -> memref<128xf32, #tpu.memory_space<vmem>>
      %dma_wait3A_630 = arith.constant 0 : i32
      %dma_wait3A_631 = tpu.memref_slice %arg3[%dma_wait3A_625, %dma_wait3A_626, %dma_wait3A_630] : memref<26x1x1000000xf32, #tpu.memory_space<hbm>> -> memref<1x1x1000000xf32, #tpu.memory_space<hbm>>
      %dma_wait3A_632 = tpu.memref_squeeze %dma_wait3A_631 : memref<1x1x1000000xf32, #tpu.memory_space<hbm>> -> memref<1000000xf32, #tpu.memory_space<hbm>>
      %dma_wait3A_633 = arith.constant 0 : i32
      %dma_wait3A_634 = tpu.memref_slice %dma_wait3A_632[%dma_wait3A_633] : memref<1000000xf32, #tpu.memory_space<hbm>> -> memref<128xf32, #tpu.memory_space<hbm>>
      %dma_wait3A_635 = arith.constant 0 : i32
      %dma_wait3A_636 = tpu.memref_slice %arg7[%add3A_624, %dma_wait3A_635] : memref<104x128xf32, #tpu.memory_space<vmem>> -> memref<1x128xf32, #tpu.memory_space<vmem>>
      %dma_wait3A_637 = tpu.memref_squeeze %dma_wait3A_636 : memref<1x128xf32, #tpu.memory_space<vmem>> -> memref<128xf32, #tpu.memory_space<vmem>>
      %dma_wait3A_638 = arith.constant 0 : i32
      %dma_wait3A_639 = tpu.memref_slice %arg3[%dma_wait3A_625, %dma_wait3A_626, %dma_wait3A_638] : memref<26x1x1000000xf32, #tpu.memory_space<hbm>> -> memref<1x1x1000000xf32, #tpu.memory_space<hbm>>
      %dma_wait3A_640 = tpu.memref_squeeze %dma_wait3A_639 : memref<1x1x1000000xf32, #tpu.memory_space<hbm>> -> memref<1000000xf32, #tpu.memory_space<hbm>>
      %dma_wait3A_641 = arith.constant 0 : i32
      %dma_wait3A_642 = tpu.memref_slice %dma_wait3A_640[%dma_wait3A_641] : memref<1000000xf32, #tpu.memory_space<hbm>> -> memref<128xf32, #tpu.memory_space<hbm>>
      tpu.wait_dma2 semaphore(%arg10 : memref<!tpu.dma_semaphore, #tpu.memory_space<semaphore_mem>>) src(%dma_wait3A_642 : memref<128xf32, #tpu.memory_space<hbm>>) dst(%dma_wait3A_637 : memref<128xf32, #tpu.memory_space<vmem>>)
      %mul3A_643 = arith.constant 8 : i32
      %mul3A_644 = arith.muli %scan3A_284, %mul3A_643 : i32
      %add3A_645 = arith.constant 2 : i32
      %add3A_646 = arith.addi %mul3A_644, %add3A_645 : i32
      %dma_wait3A_647 = arith.constant 0 : i32
      %dma_wait3A_648 = arith.constant 0 : i32
      %dma_wait3A_649 = arith.constant 0 : i32
      %dma_wait3A_650 = tpu.memref_slice %arg7[%add3A_646, %dma_wait3A_649] : memref<104x128xf32, #tpu.memory_space<vmem>> -> memref<1x128xf32, #tpu.memory_space<vmem>>
      %dma_wait3A_651 = tpu.memref_squeeze %dma_wait3A_650 : memref<1x128xf32, #tpu.memory_space<vmem>> -> memref<128xf32, #tpu.memory_space<vmem>>
      %dma_wait3A_652 = arith.constant 0 : i32
      %dma_wait3A_653 = tpu.memref_slice %arg3[%dma_wait3A_647, %dma_wait3A_648, %dma_wait3A_652] : memref<26x1x1000000xf32, #tpu.memory_space<hbm>> -> memref<1x1x1000000xf32, #tpu.memory_space<hbm>>
      %dma_wait3A_654 = tpu.memref_squeeze %dma_wait3A_653 : memref<1x1x1000000xf32, #tpu.memory_space<hbm>> -> memref<1000000xf32, #tpu.memory_space<hbm>>
      %dma_wait3A_655 = arith.constant 0 : i32
      %dma_wait3A_656 = tpu.memref_slice %dma_wait3A_654[%dma_wait3A_655] : memref<1000000xf32, #tpu.memory_space<hbm>> -> memref<128xf32, #tpu.memory_space<hbm>>
      %dma_wait3A_657 = arith.constant 0 : i32
      %dma_wait3A_658 = tpu.memref_slice %arg7[%add3A_646, %dma_wait3A_657] : memref<104x128xf32, #tpu.memory_space<vmem>> -> memref<1x128xf32, #tpu.memory_space<vmem>>
      %dma_wait3A_659 = tpu.memref_squeeze %dma_wait3A_658 : memref<1x128xf32, #tpu.memory_space<vmem>> -> memref<128xf32, #tpu.memory_space<vmem>>
      %dma_wait3A_660 = arith.constant 0 : i32
      %dma_wait3A_661 = tpu.memref_slice %arg3[%dma_wait3A_647, %dma_wait3A_648, %dma_wait3A_660] : memref<26x1x1000000xf32, #tpu.memory_space<hbm>> -> memref<1x1x1000000xf32, #tpu.memory_space<hbm>>
      %dma_wait3A_662 = tpu.memref_squeeze %dma_wait3A_661 : memref<1x1x1000000xf32, #tpu.memory_space<hbm>> -> memref<1000000xf32, #tpu.memory_space<hbm>>
      %dma_wait3A_663 = arith.constant 0 : i32
      %dma_wait3A_664 = tpu.memref_slice %dma_wait3A_662[%dma_wait3A_663] : memref<1000000xf32, #tpu.memory_space<hbm>> -> memref<128xf32, #tpu.memory_space<hbm>>
      tpu.wait_dma2 semaphore(%arg10 : memref<!tpu.dma_semaphore, #tpu.memory_space<semaphore_mem>>) src(%dma_wait3A_664 : memref<128xf32, #tpu.memory_space<hbm>>) dst(%dma_wait3A_659 : memref<128xf32, #tpu.memory_space<vmem>>)
      %mul3A_665 = arith.constant 8 : i32
      %mul3A_666 = arith.muli %scan3A_284, %mul3A_665 : i32
      %add3A_667 = arith.constant 3 : i32
      %add3A_668 = arith.addi %mul3A_666, %add3A_667 : i32
      %dma_wait3A_669 = arith.constant 0 : i32
      %dma_wait3A_670 = arith.constant 0 : i32
      %dma_wait3A_671 = arith.constant 0 : i32
      %dma_wait3A_672 = tpu.memref_slice %arg7[%add3A_668, %dma_wait3A_671] : memref<104x128xf32, #tpu.memory_space<vmem>> -> memref<1x128xf32, #tpu.memory_space<vmem>>
      %dma_wait3A_673 = tpu.memref_squeeze %dma_wait3A_672 : memref<1x128xf32, #tpu.memory_space<vmem>> -> memref<128xf32, #tpu.memory_space<vmem>>
      %dma_wait3A_674 = arith.constant 0 : i32
      %dma_wait3A_675 = tpu.memref_slice %arg3[%dma_wait3A_669, %dma_wait3A_670, %dma_wait3A_674] : memref<26x1x1000000xf32, #tpu.memory_space<hbm>> -> memref<1x1x1000000xf32, #tpu.memory_space<hbm>>
      %dma_wait3A_676 = tpu.memref_squeeze %dma_wait3A_675 : memref<1x1x1000000xf32, #tpu.memory_space<hbm>> -> memref<1000000xf32, #tpu.memory_space<hbm>>
      %dma_wait3A_677 = arith.constant 0 : i32
      %dma_wait3A_678 = tpu.memref_slice %dma_wait3A_676[%dma_wait3A_677] : memref<1000000xf32, #tpu.memory_space<hbm>> -> memref<128xf32, #tpu.memory_space<hbm>>
      %dma_wait3A_679 = arith.constant 0 : i32
      %dma_wait3A_680 = tpu.memref_slice %arg7[%add3A_668, %dma_wait3A_679] : memref<104x128xf32, #tpu.memory_space<vmem>> -> memref<1x128xf32, #tpu.memory_space<vmem>>
      %dma_wait3A_681 = tpu.memref_squeeze %dma_wait3A_680 : memref<1x128xf32, #tpu.memory_space<vmem>> -> memref<128xf32, #tpu.memory_space<vmem>>
      %dma_wait3A_682 = arith.constant 0 : i32
      %dma_wait3A_683 = tpu.memref_slice %arg3[%dma_wait3A_669, %dma_wait3A_670, %dma_wait3A_682] : memref<26x1x1000000xf32, #tpu.memory_space<hbm>> -> memref<1x1x1000000xf32, #tpu.memory_space<hbm>>
      %dma_wait3A_684 = tpu.memref_squeeze %dma_wait3A_683 : memref<1x1x1000000xf32, #tpu.memory_space<hbm>> -> memref<1000000xf32, #tpu.memory_space<hbm>>
      %dma_wait3A_685 = arith.constant 0 : i32
      %dma_wait3A_686 = tpu.memref_slice %dma_wait3A_684[%dma_wait3A_685] : memref<1000000xf32, #tpu.memory_space<hbm>> -> memref<128xf32, #tpu.memory_space<hbm>>
      tpu.wait_dma2 semaphore(%arg10 : memref<!tpu.dma_semaphore, #tpu.memory_space<semaphore_mem>>) src(%dma_wait3A_686 : memref<128xf32, #tpu.memory_space<hbm>>) dst(%dma_wait3A_681 : memref<128xf32, #tpu.memory_space<vmem>>)
      %mul3A_687 = arith.constant 8 : i32
      %mul3A_688 = arith.muli %scan3A_284, %mul3A_687 : i32
      %add3A_689 = arith.constant 4 : i32
      %add3A_690 = arith.addi %mul3A_688, %add3A_689 : i32
      %dma_wait3A_691 = arith.constant 0 : i32
      %dma_wait3A_692 = arith.constant 0 : i32
      %dma_wait3A_693 = arith.constant 0 : i32
      %dma_wait3A_694 = tpu.memref_slice %arg7[%add3A_690, %dma_wait3A_693] : memref<104x128xf32, #tpu.memory_space<vmem>> -> memref<1x128xf32, #tpu.memory_space<vmem>>
      %dma_wait3A_695 = tpu.memref_squeeze %dma_wait3A_694 : memref<1x128xf32, #tpu.memory_space<vmem>> -> memref<128xf32, #tpu.memory_space<vmem>>
      %dma_wait3A_696 = arith.constant 0 : i32
      %dma_wait3A_697 = tpu.memref_slice %arg3[%dma_wait3A_691, %dma_wait3A_692, %dma_wait3A_696] : memref<26x1x1000000xf32, #tpu.memory_space<hbm>> -> memref<1x1x1000000xf32, #tpu.memory_space<hbm>>
      %dma_wait3A_698 = tpu.memref_squeeze %dma_wait3A_697 : memref<1x1x1000000xf32, #tpu.memory_space<hbm>> -> memref<1000000xf32, #tpu.memory_space<hbm>>
      %dma_wait3A_699 = arith.constant 0 : i32
      %dma_wait3A_700 = tpu.memref_slice %dma_wait3A_698[%dma_wait3A_699] : memref<1000000xf32, #tpu.memory_space<hbm>> -> memref<128xf32, #tpu.memory_space<hbm>>
      %dma_wait3A_701 = arith.constant 0 : i32
      %dma_wait3A_702 = tpu.memref_slice %arg7[%add3A_690, %dma_wait3A_701] : memref<104x128xf32, #tpu.memory_space<vmem>> -> memref<1x128xf32, #tpu.memory_space<vmem>>
      %dma_wait3A_703 = tpu.memref_squeeze %dma_wait3A_702 : memref<1x128xf32, #tpu.memory_space<vmem>> -> memref<128xf32, #tpu.memory_space<vmem>>
      %dma_wait3A_704 = arith.constant 0 : i32
      %dma_wait3A_705 = tpu.memref_slice %arg3[%dma_wait3A_691, %dma_wait3A_692, %dma_wait3A_704] : memref<26x1x1000000xf32, #tpu.memory_space<hbm>> -> memref<1x1x1000000xf32, #tpu.memory_space<hbm>>
      %dma_wait3A_706 = tpu.memref_squeeze %dma_wait3A_705 : memref<1x1x1000000xf32, #tpu.memory_space<hbm>> -> memref<1000000xf32, #tpu.memory_space<hbm>>
      %dma_wait3A_707 = arith.constant 0 : i32
      %dma_wait3A_708 = tpu.memref_slice %dma_wait3A_706[%dma_wait3A_707] : memref<1000000xf32, #tpu.memory_space<hbm>> -> memref<128xf32, #tpu.memory_space<hbm>>
      tpu.wait_dma2 semaphore(%arg10 : memref<!tpu.dma_semaphore, #tpu.memory_space<semaphore_mem>>) src(%dma_wait3A_708 : memref<128xf32, #tpu.memory_space<hbm>>) dst(%dma_wait3A_703 : memref<128xf32, #tpu.memory_space<vmem>>)
      %mul3A_709 = arith.constant 8 : i32
      %mul3A_710 = arith.muli %scan3A_284, %mul3A_709 : i32
      %add3A_711 = arith.constant 5 : i32
      %add3A_712 = arith.addi %mul3A_710, %add3A_711 : i32
      %dma_wait3A_713 = arith.constant 0 : i32
      %dma_wait3A_714 = arith.constant 0 : i32
      %dma_wait3A_715 = arith.constant 0 : i32
      %dma_wait3A_716 = tpu.memref_slice %arg7[%add3A_712, %dma_wait3A_715] : memref<104x128xf32, #tpu.memory_space<vmem>> -> memref<1x128xf32, #tpu.memory_space<vmem>>
      %dma_wait3A_717 = tpu.memref_squeeze %dma_wait3A_716 : memref<1x128xf32, #tpu.memory_space<vmem>> -> memref<128xf32, #tpu.memory_space<vmem>>
      %dma_wait3A_718 = arith.constant 0 : i32
      %dma_wait3A_719 = tpu.memref_slice %arg3[%dma_wait3A_713, %dma_wait3A_714, %dma_wait3A_718] : memref<26x1x1000000xf32, #tpu.memory_space<hbm>> -> memref<1x1x1000000xf32, #tpu.memory_space<hbm>>
      %dma_wait3A_720 = tpu.memref_squeeze %dma_wait3A_719 : memref<1x1x1000000xf32, #tpu.memory_space<hbm>> -> memref<1000000xf32, #tpu.memory_space<hbm>>
      %dma_wait3A_721 = arith.constant 0 : i32
      %dma_wait3A_722 = tpu.memref_slice %dma_wait3A_720[%dma_wait3A_721] : memref<1000000xf32, #tpu.memory_space<hbm>> -> memref<128xf32, #tpu.memory_space<hbm>>
      %dma_wait3A_723 = arith.constant 0 : i32
      %dma_wait3A_724 = tpu.memref_slice %arg7[%add3A_712, %dma_wait3A_723] : memref<104x128xf32, #tpu.memory_space<vmem>> -> memref<1x128xf32, #tpu.memory_space<vmem>>
      %dma_wait3A_725 = tpu.memref_squeeze %dma_wait3A_724 : memref<1x128xf32, #tpu.memory_space<vmem>> -> memref<128xf32, #tpu.memory_space<vmem>>
      %dma_wait3A_726 = arith.constant 0 : i32
      %dma_wait3A_727 = tpu.memref_slice %arg3[%dma_wait3A_713, %dma_wait3A_714, %dma_wait3A_726] : memref<26x1x1000000xf32, #tpu.memory_space<hbm>> -> memref<1x1x1000000xf32, #tpu.memory_space<hbm>>
      %dma_wait3A_728 = tpu.memref_squeeze %dma_wait3A_727 : memref<1x1x1000000xf32, #tpu.memory_space<hbm>> -> memref<1000000xf32, #tpu.memory_space<hbm>>
      %dma_wait3A_729 = arith.constant 0 : i32
      %dma_wait3A_730 = tpu.memref_slice %dma_wait3A_728[%dma_wait3A_729] : memref<1000000xf32, #tpu.memory_space<hbm>> -> memref<128xf32, #tpu.memory_space<hbm>>
      tpu.wait_dma2 semaphore(%arg10 : memref<!tpu.dma_semaphore, #tpu.memory_space<semaphore_mem>>) src(%dma_wait3A_730 : memref<128xf32, #tpu.memory_space<hbm>>) dst(%dma_wait3A_725 : memref<128xf32, #tpu.memory_space<vmem>>)
      %mul3A_731 = arith.constant 8 : i32
      %mul3A_732 = arith.muli %scan3A_284, %mul3A_731 : i32
      %add3A_733 = arith.constant 6 : i32
      %add3A_734 = arith.addi %mul3A_732, %add3A_733 : i32
      %dma_wait3A_735 = arith.constant 0 : i32
      %dma_wait3A_736 = arith.constant 0 : i32
      %dma_wait3A_737 = arith.constant 0 : i32
      %dma_wait3A_738 = tpu.memref_slice %arg7[%add3A_734, %dma_wait3A_737] : memref<104x128xf32, #tpu.memory_space<vmem>> -> memref<1x128xf32, #tpu.memory_space<vmem>>
      %dma_wait3A_739 = tpu.memref_squeeze %dma_wait3A_738 : memref<1x128xf32, #tpu.memory_space<vmem>> -> memref<128xf32, #tpu.memory_space<vmem>>
      %dma_wait3A_740 = arith.constant 0 : i32
      %dma_wait3A_741 = tpu.memref_slice %arg3[%dma_wait3A_735, %dma_wait3A_736, %dma_wait3A_740] : memref<26x1x1000000xf32, #tpu.memory_space<hbm>> -> memref<1x1x1000000xf32, #tpu.memory_space<hbm>>
      %dma_wait3A_742 = tpu.memref_squeeze %dma_wait3A_741 : memref<1x1x1000000xf32, #tpu.memory_space<hbm>> -> memref<1000000xf32, #tpu.memory_space<hbm>>
      %dma_wait3A_743 = arith.constant 0 : i32
      %dma_wait3A_744 = tpu.memref_slice %dma_wait3A_742[%dma_wait3A_743] : memref<1000000xf32, #tpu.memory_space<hbm>> -> memref<128xf32, #tpu.memory_space<hbm>>
      %dma_wait3A_745 = arith.constant 0 : i32
      %dma_wait3A_746 = tpu.memref_slice %arg7[%add3A_734, %dma_wait3A_745] : memref<104x128xf32, #tpu.memory_space<vmem>> -> memref<1x128xf32, #tpu.memory_space<vmem>>
      %dma_wait3A_747 = tpu.memref_squeeze %dma_wait3A_746 : memref<1x128xf32, #tpu.memory_space<vmem>> -> memref<128xf32, #tpu.memory_space<vmem>>
      %dma_wait3A_748 = arith.constant 0 : i32
      %dma_wait3A_749 = tpu.memref_slice %arg3[%dma_wait3A_735, %dma_wait3A_736, %dma_wait3A_748] : memref<26x1x1000000xf32, #tpu.memory_space<hbm>> -> memref<1x1x1000000xf32, #tpu.memory_space<hbm>>
      %dma_wait3A_750 = tpu.memref_squeeze %dma_wait3A_749 : memref<1x1x1000000xf32, #tpu.memory_space<hbm>> -> memref<1000000xf32, #tpu.memory_space<hbm>>
      %dma_wait3A_751 = arith.constant 0 : i32
      %dma_wait3A_752 = tpu.memref_slice %dma_wait3A_750[%dma_wait3A_751] : memref<1000000xf32, #tpu.memory_space<hbm>> -> memref<128xf32, #tpu.memory_space<hbm>>
      tpu.wait_dma2 semaphore(%arg10 : memref<!tpu.dma_semaphore, #tpu.memory_space<semaphore_mem>>) src(%dma_wait3A_752 : memref<128xf32, #tpu.memory_space<hbm>>) dst(%dma_wait3A_747 : memref<128xf32, #tpu.memory_space<vmem>>)
      %mul3A_753 = arith.constant 8 : i32
      %mul3A_754 = arith.muli %scan3A_284, %mul3A_753 : i32
      %add3A_755 = arith.constant 7 : i32
      %add3A_756 = arith.addi %mul3A_754, %add3A_755 : i32
      %dma_wait3A_757 = arith.constant 0 : i32
      %dma_wait3A_758 = arith.constant 0 : i32
      %dma_wait3A_759 = arith.constant 0 : i32
      %dma_wait3A_760 = tpu.memref_slice %arg7[%add3A_756, %dma_wait3A_759] : memref<104x128xf32, #tpu.memory_space<vmem>> -> memref<1x128xf32, #tpu.memory_space<vmem>>
      %dma_wait3A_761 = tpu.memref_squeeze %dma_wait3A_760 : memref<1x128xf32, #tpu.memory_space<vmem>> -> memref<128xf32, #tpu.memory_space<vmem>>
      %dma_wait3A_762 = arith.constant 0 : i32
      %dma_wait3A_763 = tpu.memref_slice %arg3[%dma_wait3A_757, %dma_wait3A_758, %dma_wait3A_762] : memref<26x1x1000000xf32, #tpu.memory_space<hbm>> -> memref<1x1x1000000xf32, #tpu.memory_space<hbm>>
      %dma_wait3A_764 = tpu.memref_squeeze %dma_wait3A_763 : memref<1x1x1000000xf32, #tpu.memory_space<hbm>> -> memref<1000000xf32, #tpu.memory_space<hbm>>
      %dma_wait3A_765 = arith.constant 0 : i32
      %dma_wait3A_766 = tpu.memref_slice %dma_wait3A_764[%dma_wait3A_765] : memref<1000000xf32, #tpu.memory_space<hbm>> -> memref<128xf32, #tpu.memory_space<hbm>>
      %dma_wait3A_767 = arith.constant 0 : i32
      %dma_wait3A_768 = tpu.memref_slice %arg7[%add3A_756, %dma_wait3A_767] : memref<104x128xf32, #tpu.memory_space<vmem>> -> memref<1x128xf32, #tpu.memory_space<vmem>>
      %dma_wait3A_769 = tpu.memref_squeeze %dma_wait3A_768 : memref<1x128xf32, #tpu.memory_space<vmem>> -> memref<128xf32, #tpu.memory_space<vmem>>
      %dma_wait3A_770 = arith.constant 0 : i32
      %dma_wait3A_771 = tpu.memref_slice %arg3[%dma_wait3A_757, %dma_wait3A_758, %dma_wait3A_770] : memref<26x1x1000000xf32, #tpu.memory_space<hbm>> -> memref<1x1x1000000xf32, #tpu.memory_space<hbm>>
      %dma_wait3A_772 = tpu.memref_squeeze %dma_wait3A_771 : memref<1x1x1000000xf32, #tpu.memory_space<hbm>> -> memref<1000000xf32, #tpu.memory_space<hbm>>
      %dma_wait3A_773 = arith.constant 0 : i32
      %dma_wait3A_774 = tpu.memref_slice %dma_wait3A_772[%dma_wait3A_773] : memref<1000000xf32, #tpu.memory_space<hbm>> -> memref<128xf32, #tpu.memory_space<hbm>>
      tpu.wait_dma2 semaphore(%arg10 : memref<!tpu.dma_semaphore, #tpu.memory_space<semaphore_mem>>) src(%dma_wait3A_774 : memref<128xf32, #tpu.memory_space<hbm>>) dst(%dma_wait3A_769 : memref<128xf32, #tpu.memory_space<vmem>>)
    }
    %scan3A_124 = arith.constant 12 : i32
    %dma_wait3A = arith.constant 0 : i32
    %dma_wait3A_125 = arith.constant 0 : i32
    %dma_wait3A_126 = arith.constant 96 : i32
    %dma_wait3A_127 = arith.constant 0 : i32
    %dma_wait3A_128 = tpu.memref_slice %arg7[%dma_wait3A_126, %dma_wait3A_127] : memref<104x128xf32, #tpu.memory_space<vmem>> -> memref<1x128xf32, #tpu.memory_space<vmem>>
    %dma_wait3A_129 = tpu.memref_squeeze %dma_wait3A_128 : memref<1x128xf32, #tpu.memory_space<vmem>> -> memref<128xf32, #tpu.memory_space<vmem>>
    %dma_wait3A_130 = arith.constant 0 : i32
    %dma_wait3A_131 = tpu.memref_slice %arg3[%dma_wait3A, %dma_wait3A_125, %dma_wait3A_130] : memref<26x1x1000000xf32, #tpu.memory_space<hbm>> -> memref<1x1x1000000xf32, #tpu.memory_space<hbm>>
    %dma_wait3A_132 = tpu.memref_squeeze %dma_wait3A_131 : memref<1x1x1000000xf32, #tpu.memory_space<hbm>> -> memref<1000000xf32, #tpu.memory_space<hbm>>
    %dma_wait3A_133 = arith.constant 0 : i32
    %dma_wait3A_134 = tpu.memref_slice %dma_wait3A_132[%dma_wait3A_133] : memref<1000000xf32, #tpu.memory_space<hbm>> -> memref<128xf32, #tpu.memory_space<hbm>>
    %dma_wait3A_135 = arith.constant 0 : i32
    %dma_wait3A_136 = tpu.memref_slice %arg7[%dma_wait3A_126, %dma_wait3A_135] : memref<104x128xf32, #tpu.memory_space<vmem>> -> memref<1x128xf32, #tpu.memory_space<vmem>>
    %dma_wait3A_137 = tpu.memref_squeeze %dma_wait3A_136 : memref<1x128xf32, #tpu.memory_space<vmem>> -> memref<128xf32, #tpu.memory_space<vmem>>
    %dma_wait3A_138 = arith.constant 0 : i32
    %dma_wait3A_139 = tpu.memref_slice %arg3[%dma_wait3A, %dma_wait3A_125, %dma_wait3A_138] : memref<26x1x1000000xf32, #tpu.memory_space<hbm>> -> memref<1x1x1000000xf32, #tpu.memory_space<hbm>>
    %dma_wait3A_140 = tpu.memref_squeeze %dma_wait3A_139 : memref<1x1x1000000xf32, #tpu.memory_space<hbm>> -> memref<1000000xf32, #tpu.memory_space<hbm>>
    %dma_wait3A_141 = arith.constant 0 : i32
    %dma_wait3A_142 = tpu.memref_slice %dma_wait3A_140[%dma_wait3A_141] : memref<1000000xf32, #tpu.memory_space<hbm>> -> memref<128xf32, #tpu.memory_space<hbm>>
    tpu.wait_dma2 semaphore(%arg10 : memref<!tpu.dma_semaphore, #tpu.memory_space<semaphore_mem>>) src(%dma_wait3A_142 : memref<128xf32, #tpu.memory_space<hbm>>) dst(%dma_wait3A_137 : memref<128xf32, #tpu.memory_space<vmem>>)
    %dma_wait3A_143 = arith.constant 0 : i32
    %dma_wait3A_144 = arith.constant 0 : i32
    %dma_wait3A_145 = arith.constant 97 : i32
    %dma_wait3A_146 = arith.constant 0 : i32
    %dma_wait3A_147 = tpu.memref_slice %arg7[%dma_wait3A_145, %dma_wait3A_146] : memref<104x128xf32, #tpu.memory_space<vmem>> -> memref<1x128xf32, #tpu.memory_space<vmem>>
    %dma_wait3A_148 = tpu.memref_squeeze %dma_wait3A_147 : memref<1x128xf32, #tpu.memory_space<vmem>> -> memref<128xf32, #tpu.memory_space<vmem>>
    %dma_wait3A_149 = arith.constant 0 : i32
    %dma_wait3A_150 = tpu.memref_slice %arg3[%dma_wait3A_143, %dma_wait3A_144, %dma_wait3A_149] : memref<26x1x1000000xf32, #tpu.memory_space<hbm>> -> memref<1x1x1000000xf32, #tpu.memory_space<hbm>>
    %dma_wait3A_151 = tpu.memref_squeeze %dma_wait3A_150 : memref<1x1x1000000xf32, #tpu.memory_space<hbm>> -> memref<1000000xf32, #tpu.memory_space<hbm>>
    %dma_wait3A_152 = arith.constant 0 : i32
    %dma_wait3A_153 = tpu.memref_slice %dma_wait3A_151[%dma_wait3A_152] : memref<1000000xf32, #tpu.memory_space<hbm>> -> memref<128xf32, #tpu.memory_space<hbm>>
    %dma_wait3A_154 = arith.constant 0 : i32
    %dma_wait3A_155 = tpu.memref_slice %arg7[%dma_wait3A_145, %dma_wait3A_154] : memref<104x128xf32, #tpu.memory_space<vmem>> -> memref<1x128xf32, #tpu.memory_space<vmem>>
    %dma_wait3A_156 = tpu.memref_squeeze %dma_wait3A_155 : memref<1x128xf32, #tpu.memory_space<vmem>> -> memref<128xf32, #tpu.memory_space<vmem>>
    %dma_wait3A_157 = arith.constant 0 : i32
    %dma_wait3A_158 = tpu.memref_slice %arg3[%dma_wait3A_143, %dma_wait3A_144, %dma_wait3A_157] : memref<26x1x1000000xf32, #tpu.memory_space<hbm>> -> memref<1x1x1000000xf32, #tpu.memory_space<hbm>>
    %dma_wait3A_159 = tpu.memref_squeeze %dma_wait3A_158 : memref<1x1x1000000xf32, #tpu.memory_space<hbm>> -> memref<1000000xf32, #tpu.memory_space<hbm>>
    %dma_wait3A_160 = arith.constant 0 : i32
    %dma_wait3A_161 = tpu.memref_slice %dma_wait3A_159[%dma_wait3A_160] : memref<1000000xf32, #tpu.memory_space<hbm>> -> memref<128xf32, #tpu.memory_space<hbm>>
    tpu.wait_dma2 semaphore(%arg10 : memref<!tpu.dma_semaphore, #tpu.memory_space<semaphore_mem>>) src(%dma_wait3A_161 : memref<128xf32, #tpu.memory_space<hbm>>) dst(%dma_wait3A_156 : memref<128xf32, #tpu.memory_space<vmem>>)
    %dma_wait3A_162 = arith.constant 0 : i32
    %dma_wait3A_163 = arith.constant 0 : i32
    %dma_wait3A_164 = arith.constant 98 : i32
    %dma_wait3A_165 = arith.constant 0 : i32
    %dma_wait3A_166 = tpu.memref_slice %arg7[%dma_wait3A_164, %dma_wait3A_165] : memref<104x128xf32, #tpu.memory_space<vmem>> -> memref<1x128xf32, #tpu.memory_space<vmem>>
    %dma_wait3A_167 = tpu.memref_squeeze %dma_wait3A_166 : memref<1x128xf32, #tpu.memory_space<vmem>> -> memref<128xf32, #tpu.memory_space<vmem>>
    %dma_wait3A_168 = arith.constant 0 : i32
    %dma_wait3A_169 = tpu.memref_slice %arg3[%dma_wait3A_162, %dma_wait3A_163, %dma_wait3A_168] : memref<26x1x1000000xf32, #tpu.memory_space<hbm>> -> memref<1x1x1000000xf32, #tpu.memory_space<hbm>>
    %dma_wait3A_170 = tpu.memref_squeeze %dma_wait3A_169 : memref<1x1x1000000xf32, #tpu.memory_space<hbm>> -> memref<1000000xf32, #tpu.memory_space<hbm>>
    %dma_wait3A_171 = arith.constant 0 : i32
    %dma_wait3A_172 = tpu.memref_slice %dma_wait3A_170[%dma_wait3A_171] : memref<1000000xf32, #tpu.memory_space<hbm>> -> memref<128xf32, #tpu.memory_space<hbm>>
    %dma_wait3A_173 = arith.constant 0 : i32
    %dma_wait3A_174 = tpu.memref_slice %arg7[%dma_wait3A_164, %dma_wait3A_173] : memref<104x128xf32, #tpu.memory_space<vmem>> -> memref<1x128xf32, #tpu.memory_space<vmem>>
    %dma_wait3A_175 = tpu.memref_squeeze %dma_wait3A_174 : memref<1x128xf32, #tpu.memory_space<vmem>> -> memref<128xf32, #tpu.memory_space<vmem>>
    %dma_wait3A_176 = arith.constant 0 : i32
    %dma_wait3A_177 = tpu.memref_slice %arg3[%dma_wait3A_162, %dma_wait3A_163, %dma_wait3A_176] : memref<26x1x1000000xf32, #tpu.memory_space<hbm>> -> memref<1x1x1000000xf32, #tpu.memory_space<hbm>>
    %dma_wait3A_178 = tpu.memref_squeeze %dma_wait3A_177 : memref<1x1x1000000xf32, #tpu.memory_space<hbm>> -> memref<1000000xf32, #tpu.memory_space<hbm>>
    %dma_wait3A_179 = arith.constant 0 : i32
    %dma_wait3A_180 = tpu.memref_slice %dma_wait3A_178[%dma_wait3A_179] : memref<1000000xf32, #tpu.memory_space<hbm>> -> memref<128xf32, #tpu.memory_space<hbm>>
    tpu.wait_dma2 semaphore(%arg10 : memref<!tpu.dma_semaphore, #tpu.memory_space<semaphore_mem>>) src(%dma_wait3A_180 : memref<128xf32, #tpu.memory_space<hbm>>) dst(%dma_wait3A_175 : memref<128xf32, #tpu.memory_space<vmem>>)
    %dma_wait3A_181 = arith.constant 0 : i32
    %dma_wait3A_182 = arith.constant 0 : i32
    %dma_wait3A_183 = arith.constant 99 : i32
    %dma_wait3A_184 = arith.constant 0 : i32
    %dma_wait3A_185 = tpu.memref_slice %arg7[%dma_wait3A_183, %dma_wait3A_184] : memref<104x128xf32, #tpu.memory_space<vmem>> -> memref<1x128xf32, #tpu.memory_space<vmem>>
    %dma_wait3A_186 = tpu.memref_squeeze %dma_wait3A_185 : memref<1x128xf32, #tpu.memory_space<vmem>> -> memref<128xf32, #tpu.memory_space<vmem>>
    %dma_wait3A_187 = arith.constant 0 : i32
    %dma_wait3A_188 = tpu.memref_slice %arg3[%dma_wait3A_181, %dma_wait3A_182, %dma_wait3A_187] : memref<26x1x1000000xf32, #tpu.memory_space<hbm>> -> memref<1x1x1000000xf32, #tpu.memory_space<hbm>>
    %dma_wait3A_189 = tpu.memref_squeeze %dma_wait3A_188 : memref<1x1x1000000xf32, #tpu.memory_space<hbm>> -> memref<1000000xf32, #tpu.memory_space<hbm>>
    %dma_wait3A_190 = arith.constant 0 : i32
    %dma_wait3A_191 = tpu.memref_slice %dma_wait3A_189[%dma_wait3A_190] : memref<1000000xf32, #tpu.memory_space<hbm>> -> memref<128xf32, #tpu.memory_space<hbm>>
    %dma_wait3A_192 = arith.constant 0 : i32
    %dma_wait3A_193 = tpu.memref_slice %arg7[%dma_wait3A_183, %dma_wait3A_192] : memref<104x128xf32, #tpu.memory_space<vmem>> -> memref<1x128xf32, #tpu.memory_space<vmem>>
    %dma_wait3A_194 = tpu.memref_squeeze %dma_wait3A_193 : memref<1x128xf32, #tpu.memory_space<vmem>> -> memref<128xf32, #tpu.memory_space<vmem>>
    %dma_wait3A_195 = arith.constant 0 : i32
    %dma_wait3A_196 = tpu.memref_slice %arg3[%dma_wait3A_181, %dma_wait3A_182, %dma_wait3A_195] : memref<26x1x1000000xf32, #tpu.memory_space<hbm>> -> memref<1x1x1000000xf32, #tpu.memory_space<hbm>>
    %dma_wait3A_197 = tpu.memref_squeeze %dma_wait3A_196 : memref<1x1x1000000xf32, #tpu.memory_space<hbm>> -> memref<1000000xf32, #tpu.memory_space<hbm>>
    %dma_wait3A_198 = arith.constant 0 : i32
    %dma_wait3A_199 = tpu.memref_slice %dma_wait3A_197[%dma_wait3A_198] : memref<1000000xf32, #tpu.memory_space<hbm>> -> memref<128xf32, #tpu.memory_space<hbm>>
    tpu.wait_dma2 semaphore(%arg10 : memref<!tpu.dma_semaphore, #tpu.memory_space<semaphore_mem>>) src(%dma_wait3A_199 : memref<128xf32, #tpu.memory_space<hbm>>) dst(%dma_wait3A_194 : memref<128xf32, #tpu.memory_space<vmem>>)
    %dma_wait3A_200 = arith.constant 0 : i32
    %dma_wait3A_201 = arith.constant 0 : i32
    %dma_wait3A_202 = arith.constant 100 : i32
    %dma_wait3A_203 = arith.constant 0 : i32
    %dma_wait3A_204 = tpu.memref_slice %arg7[%dma_wait3A_202, %dma_wait3A_203] : memref<104x128xf32, #tpu.memory_space<vmem>> -> memref<1x128xf32, #tpu.memory_space<vmem>>
    %dma_wait3A_205 = tpu.memref_squeeze %dma_wait3A_204 : memref<1x128xf32, #tpu.memory_space<vmem>> -> memref<128xf32, #tpu.memory_space<vmem>>
    %dma_wait3A_206 = arith.constant 0 : i32
    %dma_wait3A_207 = tpu.memref_slice %arg3[%dma_wait3A_200, %dma_wait3A_201, %dma_wait3A_206] : memref<26x1x1000000xf32, #tpu.memory_space<hbm>> -> memref<1x1x1000000xf32, #tpu.memory_space<hbm>>
    %dma_wait3A_208 = tpu.memref_squeeze %dma_wait3A_207 : memref<1x1x1000000xf32, #tpu.memory_space<hbm>> -> memref<1000000xf32, #tpu.memory_space<hbm>>
    %dma_wait3A_209 = arith.constant 0 : i32
    %dma_wait3A_210 = tpu.memref_slice %dma_wait3A_208[%dma_wait3A_209] : memref<1000000xf32, #tpu.memory_space<hbm>> -> memref<128xf32, #tpu.memory_space<hbm>>
    %dma_wait3A_211 = arith.constant 0 : i32
    %dma_wait3A_212 = tpu.memref_slice %arg7[%dma_wait3A_202, %dma_wait3A_211] : memref<104x128xf32, #tpu.memory_space<vmem>> -> memref<1x128xf32, #tpu.memory_space<vmem>>
    %dma_wait3A_213 = tpu.memref_squeeze %dma_wait3A_212 : memref<1x128xf32, #tpu.memory_space<vmem>> -> memref<128xf32, #tpu.memory_space<vmem>>
    %dma_wait3A_214 = arith.constant 0 : i32
    %dma_wait3A_215 = tpu.memref_slice %arg3[%dma_wait3A_200, %dma_wait3A_201, %dma_wait3A_214] : memref<26x1x1000000xf32, #tpu.memory_space<hbm>> -> memref<1x1x1000000xf32, #tpu.memory_space<hbm>>
    %dma_wait3A_216 = tpu.memref_squeeze %dma_wait3A_215 : memref<1x1x1000000xf32, #tpu.memory_space<hbm>> -> memref<1000000xf32, #tpu.memory_space<hbm>>
    %dma_wait3A_217 = arith.constant 0 : i32
    %dma_wait3A_218 = tpu.memref_slice %dma_wait3A_216[%dma_wait3A_217] : memref<1000000xf32, #tpu.memory_space<hbm>> -> memref<128xf32, #tpu.memory_space<hbm>>
    tpu.wait_dma2 semaphore(%arg10 : memref<!tpu.dma_semaphore, #tpu.memory_space<semaphore_mem>>) src(%dma_wait3A_218 : memref<128xf32, #tpu.memory_space<hbm>>) dst(%dma_wait3A_213 : memref<128xf32, #tpu.memory_space<vmem>>)
    %dma_wait3A_219 = arith.constant 0 : i32
    %dma_wait3A_220 = arith.constant 0 : i32
    %dma_wait3A_221 = arith.constant 101 : i32
    %dma_wait3A_222 = arith.constant 0 : i32
    %dma_wait3A_223 = tpu.memref_slice %arg7[%dma_wait3A_221, %dma_wait3A_222] : memref<104x128xf32, #tpu.memory_space<vmem>> -> memref<1x128xf32, #tpu.memory_space<vmem>>
    %dma_wait3A_224 = tpu.memref_squeeze %dma_wait3A_223 : memref<1x128xf32, #tpu.memory_space<vmem>> -> memref<128xf32, #tpu.memory_space<vmem>>
    %dma_wait3A_225 = arith.constant 0 : i32
    %dma_wait3A_226 = tpu.memref_slice %arg3[%dma_wait3A_219, %dma_wait3A_220, %dma_wait3A_225] : memref<26x1x1000000xf32, #tpu.memory_space<hbm>> -> memref<1x1x1000000xf32, #tpu.memory_space<hbm>>
    %dma_wait3A_227 = tpu.memref_squeeze %dma_wait3A_226 : memref<1x1x1000000xf32, #tpu.memory_space<hbm>> -> memref<1000000xf32, #tpu.memory_space<hbm>>
    %dma_wait3A_228 = arith.constant 0 : i32
    %dma_wait3A_229 = tpu.memref_slice %dma_wait3A_227[%dma_wait3A_228] : memref<1000000xf32, #tpu.memory_space<hbm>> -> memref<128xf32, #tpu.memory_space<hbm>>
    %dma_wait3A_230 = arith.constant 0 : i32
    %dma_wait3A_231 = tpu.memref_slice %arg7[%dma_wait3A_221, %dma_wait3A_230] : memref<104x128xf32, #tpu.memory_space<vmem>> -> memref<1x128xf32, #tpu.memory_space<vmem>>
    %dma_wait3A_232 = tpu.memref_squeeze %dma_wait3A_231 : memref<1x128xf32, #tpu.memory_space<vmem>> -> memref<128xf32, #tpu.memory_space<vmem>>
    %dma_wait3A_233 = arith.constant 0 : i32
    %dma_wait3A_234 = tpu.memref_slice %arg3[%dma_wait3A_219, %dma_wait3A_220, %dma_wait3A_233] : memref<26x1x1000000xf32, #tpu.memory_space<hbm>> -> memref<1x1x1000000xf32, #tpu.memory_space<hbm>>
    %dma_wait3A_235 = tpu.memref_squeeze %dma_wait3A_234 : memref<1x1x1000000xf32, #tpu.memory_space<hbm>> -> memref<1000000xf32, #tpu.memory_space<hbm>>
    %dma_wait3A_236 = arith.constant 0 : i32
    %dma_wait3A_237 = tpu.memref_slice %dma_wait3A_235[%dma_wait3A_236] : memref<1000000xf32, #tpu.memory_space<hbm>> -> memref<128xf32, #tpu.memory_space<hbm>>
    tpu.wait_dma2 semaphore(%arg10 : memref<!tpu.dma_semaphore, #tpu.memory_space<semaphore_mem>>) src(%dma_wait3A_237 : memref<128xf32, #tpu.memory_space<hbm>>) dst(%dma_wait3A_232 : memref<128xf32, #tpu.memory_space<vmem>>)
    %dma_wait3A_238 = arith.constant 0 : i32
    %dma_wait3A_239 = arith.constant 0 : i32
    %dma_wait3A_240 = arith.constant 102 : i32
    %dma_wait3A_241 = arith.constant 0 : i32
    %dma_wait3A_242 = tpu.memref_slice %arg7[%dma_wait3A_240, %dma_wait3A_241] : memref<104x128xf32, #tpu.memory_space<vmem>> -> memref<1x128xf32, #tpu.memory_space<vmem>>
    %dma_wait3A_243 = tpu.memref_squeeze %dma_wait3A_242 : memref<1x128xf32, #tpu.memory_space<vmem>> -> memref<128xf32, #tpu.memory_space<vmem>>
    %dma_wait3A_244 = arith.constant 0 : i32
    %dma_wait3A_245 = tpu.memref_slice %arg3[%dma_wait3A_238, %dma_wait3A_239, %dma_wait3A_244] : memref<26x1x1000000xf32, #tpu.memory_space<hbm>> -> memref<1x1x1000000xf32, #tpu.memory_space<hbm>>
    %dma_wait3A_246 = tpu.memref_squeeze %dma_wait3A_245 : memref<1x1x1000000xf32, #tpu.memory_space<hbm>> -> memref<1000000xf32, #tpu.memory_space<hbm>>
    %dma_wait3A_247 = arith.constant 0 : i32
    %dma_wait3A_248 = tpu.memref_slice %dma_wait3A_246[%dma_wait3A_247] : memref<1000000xf32, #tpu.memory_space<hbm>> -> memref<128xf32, #tpu.memory_space<hbm>>
    %dma_wait3A_249 = arith.constant 0 : i32
    %dma_wait3A_250 = tpu.memref_slice %arg7[%dma_wait3A_240, %dma_wait3A_249] : memref<104x128xf32, #tpu.memory_space<vmem>> -> memref<1x128xf32, #tpu.memory_space<vmem>>
    %dma_wait3A_251 = tpu.memref_squeeze %dma_wait3A_250 : memref<1x128xf32, #tpu.memory_space<vmem>> -> memref<128xf32, #tpu.memory_space<vmem>>
    %dma_wait3A_252 = arith.constant 0 : i32
    %dma_wait3A_253 = tpu.memref_slice %arg3[%dma_wait3A_238, %dma_wait3A_239, %dma_wait3A_252] : memref<26x1x1000000xf32, #tpu.memory_space<hbm>> -> memref<1x1x1000000xf32, #tpu.memory_space<hbm>>
    %dma_wait3A_254 = tpu.memref_squeeze %dma_wait3A_253 : memref<1x1x1000000xf32, #tpu.memory_space<hbm>> -> memref<1000000xf32, #tpu.memory_space<hbm>>
    %dma_wait3A_255 = arith.constant 0 : i32
    %dma_wait3A_256 = tpu.memref_slice %dma_wait3A_254[%dma_wait3A_255] : memref<1000000xf32, #tpu.memory_space<hbm>> -> memref<128xf32, #tpu.memory_space<hbm>>
    tpu.wait_dma2 semaphore(%arg10 : memref<!tpu.dma_semaphore, #tpu.memory_space<semaphore_mem>>) src(%dma_wait3A_256 : memref<128xf32, #tpu.memory_space<hbm>>) dst(%dma_wait3A_251 : memref<128xf32, #tpu.memory_space<vmem>>)
    %dma_wait3A_257 = arith.constant 0 : i32
    %dma_wait3A_258 = arith.constant 0 : i32
    %dma_wait3A_259 = arith.constant 103 : i32
    %dma_wait3A_260 = arith.constant 0 : i32
    %dma_wait3A_261 = tpu.memref_slice %arg7[%dma_wait3A_259, %dma_wait3A_260] : memref<104x128xf32, #tpu.memory_space<vmem>> -> memref<1x128xf32, #tpu.memory_space<vmem>>
    %dma_wait3A_262 = tpu.memref_squeeze %dma_wait3A_261 : memref<1x128xf32, #tpu.memory_space<vmem>> -> memref<128xf32, #tpu.memory_space<vmem>>
    %dma_wait3A_263 = arith.constant 0 : i32
    %dma_wait3A_264 = tpu.memref_slice %arg3[%dma_wait3A_257, %dma_wait3A_258, %dma_wait3A_263] : memref<26x1x1000000xf32, #tpu.memory_space<hbm>> -> memref<1x1x1000000xf32, #tpu.memory_space<hbm>>
    %dma_wait3A_265 = tpu.memref_squeeze %dma_wait3A_264 : memref<1x1x1000000xf32, #tpu.memory_space<hbm>> -> memref<1000000xf32, #tpu.memory_space<hbm>>
    %dma_wait3A_266 = arith.constant 0 : i32
    %dma_wait3A_267 = tpu.memref_slice %dma_wait3A_265[%dma_wait3A_266] : memref<1000000xf32, #tpu.memory_space<hbm>> -> memref<128xf32, #tpu.memory_space<hbm>>
    %dma_wait3A_268 = arith.constant 0 : i32
    %dma_wait3A_269 = tpu.memref_slice %arg7[%dma_wait3A_259, %dma_wait3A_268] : memref<104x128xf32, #tpu.memory_space<vmem>> -> memref<1x128xf32, #tpu.memory_space<vmem>>
    %dma_wait3A_270 = tpu.memref_squeeze %dma_wait3A_269 : memref<1x128xf32, #tpu.memory_space<vmem>> -> memref<128xf32, #tpu.memory_space<vmem>>
    %dma_wait3A_271 = arith.constant 0 : i32
    %dma_wait3A_272 = tpu.memref_slice %arg3[%dma_wait3A_257, %dma_wait3A_258, %dma_wait3A_271] : memref<26x1x1000000xf32, #tpu.memory_space<hbm>> -> memref<1x1x1000000xf32, #tpu.memory_space<hbm>>
    %dma_wait3A_273 = tpu.memref_squeeze %dma_wait3A_272 : memref<1x1x1000000xf32, #tpu.memory_space<hbm>> -> memref<1000000xf32, #tpu.memory_space<hbm>>
    %dma_wait3A_274 = arith.constant 0 : i32
    %dma_wait3A_275 = tpu.memref_slice %dma_wait3A_273[%dma_wait3A_274] : memref<1000000xf32, #tpu.memory_space<hbm>> -> memref<128xf32, #tpu.memory_space<hbm>>
    tpu.wait_dma2 semaphore(%arg10 : memref<!tpu.dma_semaphore, #tpu.memory_space<semaphore_mem>>) src(%dma_wait3A_275 : memref<128xf32, #tpu.memory_space<hbm>>) dst(%dma_wait3A_270 : memref<128xf32, #tpu.memory_space<vmem>>)
    %scan3A_276 = arith.constant 0 : i32
    %scan3A_277 = arith.constant 0 : i32
    %scan3A_278 = arith.constant 32 : i32
    %scan3A_279 = arith.addi %scan3A_277, %scan3A_278 : i32
    %scan3A_280 = arith.constant 1 : i32
    scf.for %scan3A_284 = %scan3A_277 to %scan3A_279 step %scan3A_280  : i32 {
      %jit3A = arith.constant 8 : i32
      %div3A = arith.divsi %scan3A_284, %jit3A : i32
      %sign3A = arith.constant 0 : i32
      %sign3A_285 = arith.cmpi sgt, %scan3A_284, %sign3A : i32
      %sign3A_286 = arith.extui %sign3A_285 : i1 to i32
      %sign3A_287 = arith.constant 0 : i32
      %sign3A_288 = arith.cmpi slt, %scan3A_284, %sign3A_287 : i32
      %sign3A_289 = arith.extui %sign3A_288 : i1 to i32
      %sign3A_290 = arith.subi %sign3A_286, %sign3A_289 : i32
      %sign3A_291 = arith.constant 0 : i32
      %sign3A_292 = arith.cmpi sgt, %jit3A, %sign3A_291 : i32
      %sign3A_293 = arith.extui %sign3A_292 : i1 to i32
      %sign3A_294 = arith.constant 0 : i32
      %sign3A_295 = arith.cmpi slt, %jit3A, %sign3A_294 : i32
      %sign3A_296 = arith.extui %sign3A_295 : i1 to i32
      %sign3A_297 = arith.subi %sign3A_293, %sign3A_296 : i32
      %ne3A = arith.cmpi ne, %sign3A_290, %sign3A_297 : i32
      %rem3A = arith.remsi %scan3A_284, %jit3A : i32
      %ne3A_298 = arith.constant 0 : i32
      %ne3A_299 = arith.cmpi ne, %rem3A, %ne3A_298 : i32
      %and3A = arith.andi %ne3A, %ne3A_299 : i1
      %sub3A = arith.constant 1 : i32
      %sub3A_300 = arith.subi %div3A, %sub3A : i32
      %select_n3A = arith.select %and3A, %sub3A_300, %div3A : i32
      %jit3A_301 = arith.constant 8 : i32
      %eq3A = arith.constant 0 : i32
      %eq3A_302 = arith.cmpi eq, %jit3A_301, %eq3A : i32
      %jit3A_303 = arith.constant 1 : i32
      %select_n3A_304 = arith.select %eq3A_302, %jit3A_303, %jit3A_301 : i32
      %rem3A_305 = arith.remsi %scan3A_284, %select_n3A_304 : i32
      %ne3A_306 = arith.constant 0 : i32
      %ne3A_307 = arith.cmpi ne, %rem3A_305, %ne3A_306 : i32
      %lt3A = arith.constant 0 : i32
      %lt3A_308 = arith.cmpi slt, %rem3A_305, %lt3A : i32
      %lt3A_309 = arith.constant 0 : i32
      %lt3A_310 = arith.cmpi slt, %select_n3A_304, %lt3A_309 : i32
      %ne3A_311 = arith.xori %lt3A_308, %lt3A_310 : i1
      %and3A_312 = arith.andi %ne3A_311, %ne3A_307 : i1
      %add3A_313 = arith.addi %rem3A_305, %select_n3A_304 : i32
      %select_n3A_314 = arith.select %and3A_312, %add3A_313, %rem3A_305 : i32
      %mul3A_315 = arith.constant 16 : i32
      %mul3A_316 = arith.muli %select_n3A_314, %mul3A_315 : i32
      %get3A = arith.constant 0 : index
      %get3A_317 = tpu.vector_load %arg9[%get3A] {strides = array<i32>} : memref<16xf32, #tpu.memory_space<vmem>>, vector<16xf32>,
      %get3A_318 = vector.shape_cast %get3A_317 : vector<16xf32> to vector<16xf32>
      %add3A_319 = arith.constant 0 : i32
      %add3A_320 = arith.addi %add3A_319, %select_n3A : i32
      %get3A_321 = arith.index_cast %add3A_320 : i32 to index
      %get3A_322 = arith.index_cast %mul3A_316 : i32 to index
      %get3A_323 = tpu.vector_load %arg7[%get3A_321, %get3A_322] {strides = array<i32>} : memref<104x128xf32, #tpu.memory_space<vmem>>, vector<1x16xf32>,
      %get3A_324 = vector.shape_cast %get3A_323 : vector<1x16xf32> to vector<16xf32>
      %add3A_325 = arith.addf %get3A_318, %get3A_324 : vector<16xf32>
      %add3A_326 = arith.constant 4 : i32
      %add3A_327 = arith.addi %add3A_326, %select_n3A : i32
      %get3A_328 = arith.index_cast %add3A_327 : i32 to index
      %get3A_329 = arith.index_cast %mul3A_316 : i32 to index
      %get3A_330 = tpu.vector_load %arg7[%get3A_328, %get3A_329] {strides = array<i32>} : memref<104x128xf32, #tpu.memory_space<vmem>>, vector<1x16xf32>,
      %get3A_331 = vector.shape_cast %get3A_330 : vector<1x16xf32> to vector<16xf32>
      %add3A_332 = arith.addf %add3A_325, %get3A_331 : vector<16xf32>
      %add3A_333 = arith.constant 8 : i32
      %add3A_334 = arith.addi %add3A_333, %select_n3A : i32
      %get3A_335 = arith.index_cast %add3A_334 : i32 to index
      %get3A_336 = arith.index_cast %mul3A_316 : i32 to index
      %get3A_337 = tpu.vector_load %arg7[%get3A_335, %get3A_336] {strides = array<i32>} : memref<104x128xf32, #tpu.memory_space<vmem>>, vector<1x16xf32>,
      %get3A_338 = vector.shape_cast %get3A_337 : vector<1x16xf32> to vector<16xf32>
      %add3A_339 = arith.addf %add3A_332, %get3A_338 : vector<16xf32>
      %add3A_340 = arith.constant 12 : i32
      %add3A_341 = arith.addi %add3A_340, %select_n3A : i32
      %get3A_342 = arith.index_cast %add3A_341 : i32 to index
      %get3A_343 = arith.index_cast %mul3A_316 : i32 to index
      %get3A_344 = tpu.vector_load %arg7[%get3A_342, %get3A_343] {strides = array<i32>} : memref<104x128xf32, #tpu.memory_space<vmem>>, vector<1x16xf32>,
      %get3A_345 = vector.shape_cast %get3A_344 : vector<1x16xf32> to vector<16xf32>
      %add3A_346 = arith.addf %add3A_339, %get3A_345 : vector<16xf32>
      %add3A_347 = arith.constant 16 : i32
      %add3A_348 = arith.addi %add3A_347, %select_n3A : i32
      %get3A_349 = arith.index_cast %add3A_348 : i32 to index
      %get3A_350 = arith.index_cast %mul3A_316 : i32 to index
      %get3A_351 = tpu.vector_load %arg7[%get3A_349, %get3A_350] {strides = array<i32>} : memref<104x128xf32, #tpu.memory_space<vmem>>, vector<1x16xf32>,
      %get3A_352 = vector.shape_cast %get3A_351 : vector<1x16xf32> to vector<16xf32>
      %add3A_353 = arith.addf %add3A_346, %get3A_352 : vector<16xf32>
      %add3A_354 = arith.constant 20 : i32
      %add3A_355 = arith.addi %add3A_354, %select_n3A : i32
      %get3A_356 = arith.index_cast %add3A_355 : i32 to index
      %get3A_357 = arith.index_cast %mul3A_316 : i32 to index
      %get3A_358 = tpu.vector_load %arg7[%get3A_356, %get3A_357] {strides = array<i32>} : memref<104x128xf32, #tpu.memory_space<vmem>>, vector<1x16xf32>,
      %get3A_359 = vector.shape_cast %get3A_358 : vector<1x16xf32> to vector<16xf32>
      %add3A_360 = arith.addf %add3A_353, %get3A_359 : vector<16xf32>
      %add3A_361 = arith.constant 24 : i32
      %add3A_362 = arith.addi %add3A_361, %select_n3A : i32
      %get3A_363 = arith.index_cast %add3A_362 : i32 to index
      %get3A_364 = arith.index_cast %mul3A_316 : i32 to index
      %get3A_365 = tpu.vector_load %arg7[%get3A_363, %get3A_364] {strides = array<i32>} : memref<104x128xf32, #tpu.memory_space<vmem>>, vector<1x16xf32>,
      %get3A_366 = vector.shape_cast %get3A_365 : vector<1x16xf32> to vector<16xf32>
      %add3A_367 = arith.addf %add3A_360, %get3A_366 : vector<16xf32>
      %add3A_368 = arith.constant 28 : i32
      %add3A_369 = arith.addi %add3A_368, %select_n3A : i32
      %get3A_370 = arith.index_cast %add3A_369 : i32 to index
      %get3A_371 = arith.index_cast %mul3A_316 : i32 to index
      %get3A_372 = tpu.vector_load %arg7[%get3A_370, %get3A_371] {strides = array<i32>} : memref<104x128xf32, #tpu.memory_space<vmem>>, vector<1x16xf32>,
      %get3A_373 = vector.shape_cast %get3A_372 : vector<1x16xf32> to vector<16xf32>
      %add3A_374 = arith.addf %add3A_367, %get3A_373 : vector<16xf32>
      %add3A_375 = arith.constant 32 : i32
      %add3A_376 = arith.addi %add3A_375, %select_n3A : i32
      %get3A_377 = arith.index_cast %add3A_376 : i32 to index
      %get3A_378 = arith.index_cast %mul3A_316 : i32 to index
      %get3A_379 = tpu.vector_load %arg7[%get3A_377, %get3A_378] {strides = array<i32>} : memref<104x128xf32, #tpu.memory_space<vmem>>, vector<1x16xf32>,
      %get3A_380 = vector.shape_cast %get3A_379 : vector<1x16xf32> to vector<16xf32>
      %add3A_381 = arith.addf %add3A_374, %get3A_380 : vector<16xf32>
      %add3A_382 = arith.constant 36 : i32
      %add3A_383 = arith.addi %add3A_382, %select_n3A : i32
      %get3A_384 = arith.index_cast %add3A_383 : i32 to index
      %get3A_385 = arith.index_cast %mul3A_316 : i32 to index
      %get3A_386 = tpu.vector_load %arg7[%get3A_384, %get3A_385] {strides = array<i32>} : memref<104x128xf32, #tpu.memory_space<vmem>>, vector<1x16xf32>,
      %get3A_387 = vector.shape_cast %get3A_386 : vector<1x16xf32> to vector<16xf32>
      %add3A_388 = arith.addf %add3A_381, %get3A_387 : vector<16xf32>
      %add3A_389 = arith.constant 40 : i32
      %add3A_390 = arith.addi %add3A_389, %select_n3A : i32
      %get3A_391 = arith.index_cast %add3A_390 : i32 to index
      %get3A_392 = arith.index_cast %mul3A_316 : i32 to index
      %get3A_393 = tpu.vector_load %arg7[%get3A_391, %get3A_392] {strides = array<i32>} : memref<104x128xf32, #tpu.memory_space<vmem>>, vector<1x16xf32>,
      %get3A_394 = vector.shape_cast %get3A_393 : vector<1x16xf32> to vector<16xf32>
      %add3A_395 = arith.addf %add3A_388, %get3A_394 : vector<16xf32>
      %add3A_396 = arith.constant 44 : i32
      %add3A_397 = arith.addi %add3A_396, %select_n3A : i32
      %get3A_398 = arith.index_cast %add3A_397 : i32 to index
      %get3A_399 = arith.index_cast %mul3A_316 : i32 to index
      %get3A_400 = tpu.vector_load %arg7[%get3A_398, %get3A_399] {strides = array<i32>} : memref<104x128xf32, #tpu.memory_space<vmem>>, vector<1x16xf32>,
      %get3A_401 = vector.shape_cast %get3A_400 : vector<1x16xf32> to vector<16xf32>
      %add3A_402 = arith.addf %add3A_395, %get3A_401 : vector<16xf32>
      %add3A_403 = arith.constant 48 : i32
      %add3A_404 = arith.addi %add3A_403, %select_n3A : i32
      %get3A_405 = arith.index_cast %add3A_404 : i32 to index
      %get3A_406 = arith.index_cast %mul3A_316 : i32 to index
      %get3A_407 = tpu.vector_load %arg7[%get3A_405, %get3A_406] {strides = array<i32>} : memref<104x128xf32, #tpu.memory_space<vmem>>, vector<1x16xf32>,
      %get3A_408 = vector.shape_cast %get3A_407 : vector<1x16xf32> to vector<16xf32>
      %add3A_409 = arith.addf %add3A_402, %get3A_408 : vector<16xf32>
      %add3A_410 = arith.constant 52 : i32
      %add3A_411 = arith.addi %add3A_410, %select_n3A : i32
      %get3A_412 = arith.index_cast %add3A_411 : i32 to index
      %get3A_413 = arith.index_cast %mul3A_316 : i32 to index
      %get3A_414 = tpu.vector_load %arg7[%get3A_412, %get3A_413] {strides = array<i32>} : memref<104x128xf32, #tpu.memory_space<vmem>>, vector<1x16xf32>,
      %get3A_415 = vector.shape_cast %get3A_414 : vector<1x16xf32> to vector<16xf32>
      %add3A_416 = arith.addf %add3A_409, %get3A_415 : vector<16xf32>
      %add3A_417 = arith.constant 56 : i32
      %add3A_418 = arith.addi %add3A_417, %select_n3A : i32
      %get3A_419 = arith.index_cast %add3A_418 : i32 to index
      %get3A_420 = arith.index_cast %mul3A_316 : i32 to index
      %get3A_421 = tpu.vector_load %arg7[%get3A_419, %get3A_420] {strides = array<i32>} : memref<104x128xf32, #tpu.memory_space<vmem>>, vector<1x16xf32>,
      %get3A_422 = vector.shape_cast %get3A_421 : vector<1x16xf32> to vector<16xf32>
      %add3A_423 = arith.addf %add3A_416, %get3A_422 : vector<16xf32>
      %add3A_424 = arith.constant 60 : i32
      %add3A_425 = arith.addi %add3A_424, %select_n3A : i32
      %get3A_426 = arith.index_cast %add3A_425 : i32 to index
      %get3A_427 = arith.index_cast %mul3A_316 : i32 to index
      %get3A_428 = tpu.vector_load %arg7[%get3A_426, %get3A_427] {strides = array<i32>} : memref<104x128xf32, #tpu.memory_space<vmem>>, vector<1x16xf32>,
      %get3A_429 = vector.shape_cast %get3A_428 : vector<1x16xf32> to vector<16xf32>
      %add3A_430 = arith.addf %add3A_423, %get3A_429 : vector<16xf32>
      %add3A_431 = arith.constant 64 : i32
      %add3A_432 = arith.addi %add3A_431, %select_n3A : i32
      %get3A_433 = arith.index_cast %add3A_432 : i32 to index
      %get3A_434 = arith.index_cast %mul3A_316 : i32 to index
      %get3A_435 = tpu.vector_load %arg7[%get3A_433, %get3A_434] {strides = array<i32>} : memref<104x128xf32, #tpu.memory_space<vmem>>, vector<1x16xf32>,
      %get3A_436 = vector.shape_cast %get3A_435 : vector<1x16xf32> to vector<16xf32>
      %add3A_437 = arith.addf %add3A_430, %get3A_436 : vector<16xf32>
      %add3A_438 = arith.constant 68 : i32
      %add3A_439 = arith.addi %add3A_438, %select_n3A : i32
      %get3A_440 = arith.index_cast %add3A_439 : i32 to index
      %get3A_441 = arith.index_cast %mul3A_316 : i32 to index
      %get3A_442 = tpu.vector_load %arg7[%get3A_440, %get3A_441] {strides = array<i32>} : memref<104x128xf32, #tpu.memory_space<vmem>>, vector<1x16xf32>,
      %get3A_443 = vector.shape_cast %get3A_442 : vector<1x16xf32> to vector<16xf32>
      %add3A_444 = arith.addf %add3A_437, %get3A_443 : vector<16xf32>
      %add3A_445 = arith.constant 72 : i32
      %add3A_446 = arith.addi %add3A_445, %select_n3A : i32
      %get3A_447 = arith.index_cast %add3A_446 : i32 to index
      %get3A_448 = arith.index_cast %mul3A_316 : i32 to index
      %get3A_449 = tpu.vector_load %arg7[%get3A_447, %get3A_448] {strides = array<i32>} : memref<104x128xf32, #tpu.memory_space<vmem>>, vector<1x16xf32>,
      %get3A_450 = vector.shape_cast %get3A_449 : vector<1x16xf32> to vector<16xf32>
      %add3A_451 = arith.addf %add3A_444, %get3A_450 : vector<16xf32>
      %add3A_452 = arith.constant 76 : i32
      %add3A_453 = arith.addi %add3A_452, %select_n3A : i32
      %get3A_454 = arith.index_cast %add3A_453 : i32 to index
      %get3A_455 = arith.index_cast %mul3A_316 : i32 to index
      %get3A_456 = tpu.vector_load %arg7[%get3A_454, %get3A_455] {strides = array<i32>} : memref<104x128xf32, #tpu.memory_space<vmem>>, vector<1x16xf32>,
      %get3A_457 = vector.shape_cast %get3A_456 : vector<1x16xf32> to vector<16xf32>
      %add3A_458 = arith.addf %add3A_451, %get3A_457 : vector<16xf32>
      %add3A_459 = arith.constant 80 : i32
      %add3A_460 = arith.addi %add3A_459, %select_n3A : i32
      %get3A_461 = arith.index_cast %add3A_460 : i32 to index
      %get3A_462 = arith.index_cast %mul3A_316 : i32 to index
      %get3A_463 = tpu.vector_load %arg7[%get3A_461, %get3A_462] {strides = array<i32>} : memref<104x128xf32, #tpu.memory_space<vmem>>, vector<1x16xf32>,
      %get3A_464 = vector.shape_cast %get3A_463 : vector<1x16xf32> to vector<16xf32>
      %add3A_465 = arith.addf %add3A_458, %get3A_464 : vector<16xf32>
      %add3A_466 = arith.constant 84 : i32
      %add3A_467 = arith.addi %add3A_466, %select_n3A : i32
      %get3A_468 = arith.index_cast %add3A_467 : i32 to index
      %get3A_469 = arith.index_cast %mul3A_316 : i32 to index
      %get3A_470 = tpu.vector_load %arg7[%get3A_468, %get3A_469] {strides = array<i32>} : memref<104x128xf32, #tpu.memory_space<vmem>>, vector<1x16xf32>,
      %get3A_471 = vector.shape_cast %get3A_470 : vector<1x16xf32> to vector<16xf32>
      %add3A_472 = arith.addf %add3A_465, %get3A_471 : vector<16xf32>
      %add3A_473 = arith.constant 88 : i32
      %add3A_474 = arith.addi %add3A_473, %select_n3A : i32
      %get3A_475 = arith.index_cast %add3A_474 : i32 to index
      %get3A_476 = arith.index_cast %mul3A_316 : i32 to index
      %get3A_477 = tpu.vector_load %arg7[%get3A_475, %get3A_476] {strides = array<i32>} : memref<104x128xf32, #tpu.memory_space<vmem>>, vector<1x16xf32>,
      %get3A_478 = vector.shape_cast %get3A_477 : vector<1x16xf32> to vector<16xf32>
      %add3A_479 = arith.addf %add3A_472, %get3A_478 : vector<16xf32>
      %add3A_480 = arith.constant 92 : i32
      %add3A_481 = arith.addi %add3A_480, %select_n3A : i32
      %get3A_482 = arith.index_cast %add3A_481 : i32 to index
      %get3A_483 = arith.index_cast %mul3A_316 : i32 to index
      %get3A_484 = tpu.vector_load %arg7[%get3A_482, %get3A_483] {strides = array<i32>} : memref<104x128xf32, #tpu.memory_space<vmem>>, vector<1x16xf32>,
      %get3A_485 = vector.shape_cast %get3A_484 : vector<1x16xf32> to vector<16xf32>
      %add3A_486 = arith.addf %add3A_479, %get3A_485 : vector<16xf32>
      %add3A_487 = arith.constant 96 : i32
      %add3A_488 = arith.addi %add3A_487, %select_n3A : i32
      %get3A_489 = arith.index_cast %add3A_488 : i32 to index
      %get3A_490 = arith.index_cast %mul3A_316 : i32 to index
      %get3A_491 = tpu.vector_load %arg7[%get3A_489, %get3A_490] {strides = array<i32>} : memref<104x128xf32, #tpu.memory_space<vmem>>, vector<1x16xf32>,
      %get3A_492 = vector.shape_cast %get3A_491 : vector<1x16xf32> to vector<16xf32>
      %add3A_493 = arith.addf %add3A_486, %get3A_492 : vector<16xf32>
      %add3A_494 = arith.constant 100 : i32
      %add3A_495 = arith.addi %add3A_494, %select_n3A : i32
      %get3A_496 = arith.index_cast %add3A_495 : i32 to index
      %get3A_497 = arith.index_cast %mul3A_316 : i32 to index
      %get3A_498 = tpu.vector_load %arg7[%get3A_496, %get3A_497] {strides = array<i32>} : memref<104x128xf32, #tpu.memory_space<vmem>>, vector<1x16xf32>,
      %get3A_499 = vector.shape_cast %get3A_498 : vector<1x16xf32> to vector<16xf32>
      %add3A_500 = arith.addf %add3A_493, %get3A_499 : vector<16xf32>
      %mul3A_501 = arith.constant 16 : i32
      %mul3A_502 = arith.muli %scan3A_284, %mul3A_501 : i32
      %swap3A = arith.index_cast %mul3A_502 : i32 to index
      %swap3A_503 = tpu.vector_load %arg8[%swap3A] {strides = array<i32>} : memref<512xf32, #tpu.memory_space<vmem>>, vector<16xf32>,
      %swap3A_504 = vector.shape_cast %swap3A_503 : vector<16xf32> to vector<16xf32>
      %swap3A_505 = vector.shape_cast %add3A_500 : vector<16xf32> to vector<16xf32>
      tpu.vector_store %arg8[%swap3A], %swap3A_505 {strides = array<i32>} : memref<512xf32, #tpu.memory_space<vmem>>, vector<16xf32>,
    }
    %scan3A_281 = arith.constant 32 : i32
    %mul3A_282 = arith.constant 512 : i32
    %mul3A_283 = arith.muli %add3A, %mul3A_282 : i32
    "tpu.region"() ({
      %run_scoped3A = tpu.sem_alloc : memref<!tpu.dma_semaphore, #tpu.memory_space<semaphore_mem>>
      %dma_start3A_284 = tpu.memref_slice %arg5[%mul3A_283] : memref<16384xf32, #tpu.memory_space<hbm>> -> memref<512xf32, #tpu.memory_space<hbm>>
      %dma_start3A_285 = tpu.memref_slice %arg5[%mul3A_283] : memref<16384xf32, #tpu.memory_space<hbm>> -> memref<512xf32, #tpu.memory_space<hbm>>
      tpu.enqueue_dma source(%arg8 : memref<512xf32, #tpu.memory_space<vmem>>) target(%dma_start3A_285 : memref<512xf32, #tpu.memory_space<hbm>>) target_semaphore(%run_scoped3A : memref<!tpu.dma_semaphore, #tpu.memory_space<semaphore_mem>>)
      %dma_wait3A_286 = tpu.memref_slice %arg5[%mul3A_283] : memref<16384xf32, #tpu.memory_space<hbm>> -> memref<512xf32, #tpu.memory_space<hbm>>
      %dma_wait3A_287 = tpu.memref_slice %arg5[%mul3A_283] : memref<16384xf32, #tpu.memory_space<hbm>> -> memref<512xf32, #tpu.memory_space<hbm>>
      tpu.wait_dma2 semaphore(%run_scoped3A : memref<!tpu.dma_semaphore, #tpu.memory_space<semaphore_mem>>) src(%arg8 : memref<512xf32, #tpu.memory_space<vmem>>) dst(%dma_wait3A_287 : memref<512xf32, #tpu.memory_space<hbm>>)
      tpu.yield
    }) : () -> ()
    return
  }
}

</mosaic_0001>

<sc_bundles>
// kernel: kernel.3.cloned.1.call-start
scs
__scs_entry_jumppad:
0x0: {  	(pc) =	sbr.rel $0x88, $3  }
0x1: {  	(tag) =	ssettag $0x0;
	lr =	simm.s32 $0x1  }
0x2: {  	[smem:$0x3F9E] =	sst lr;
	_ =	strace $0xD0000000  }
0x3: {  	_ = 	snop  }
0x4: {  	_ = 	snop  }
0x5: {  	_ = 	snop  }
0x6: {  	_ = 	snop  }
0x7: {  	_ = 	snop  }
__scs_overlays_trampoline_lowered:
0x8: {  	[smem:$0x3FAD] =	sst s0  }
0x9: {  	[smem:$0x3FAE] =	sst s1  }
0xa: {  	[smem:$0x3FAF] =	sst s2  }
0xb: {  	[smem:$0x3FB0] =	sst s3  }
0xc: {  	[smem:$0x3FB1] =	sst s4  }
0xd: {  	[smem:$0x3FB2] =	sst s5  }
0xe: {  	[smem:$0x3FB3] =	sst s6  }
0xf: {  	[smem:$0x3FB4] =	sst s7  }
0x10: {  	[smem:$0x3FB5] =	sst s8  }
0x11: {  	[smem:$0x3FB6] =	sst s9;
	s0 =	simm.s32 @!p0 $0x0  }
0x12: {  	s1 =	sld [smem:$0x3F9C];
	s0 =	simm.s32 @p0 $0x1  }
0x13: {  	[smem:$0x3FB7] =	sst s0;
	s0 =	simm.s32 @!p1 $0x0  }
0x14: {  	s2 =	sld [smem:$0x3F9B];
	s0 =	simm.s32 @p1 $0x1  }
0x15: {  	[smem:$0x3FB8] =	sst s0;
	s0 =	simm.s32 @!p2 $0x0  }
0x16: {  	s3 =	sld [smem:$0x3FDB];
	s0 =	simm.s32 @p2 $0x1  }
0x17: {  	s4 =	simm.s32 $0x1BF5;
	[smem:$0x3FBA] =	sst s0  }
0x18: {  	s0 =	sld [smem:$0x3F9D];
	_ =	swait.ge [sflag:s4], $0x0  }
0x19: {  	s7 =	sld [smem:$0x3F9E]  }
0x1a: {  	s8 =	sadd.s32 $0xFFFFE003, lr  }
0x1b: {  	s9 =	sadd.s32 $0xFFFFFEF7, lr;
	s5 =	simm.s32 $0xFFFFFFFF;
	p2 =	slt.u32 s8, $0xFFFFF086  }
0x1c: {  	p1 =	slt.u32 s9, $0xF7A;
	s5 =	simm.s32 @!p2 $0x0  }
0x1d: {  	s5 =	simm.s32 @p1 $0x1;
	p0 =	seq.s32 s7, s2  }
0x1e: {  	s7 =	smul.u32 @!p0 $0xF7A, s2;
	p2 =	seq.s32 @!p0 s5, $0x0  }
0x1f: {  	s9 =	smul.u32 $0xF7A, s1;
	s8 =	simm.s32 @!p0 $0x1BF5;
	p2 =	por !p2, p0  }
0x20: {  	[sflag:s8] =	ssyncset.s32 @!p0 $0xFFFFF086;
	s6 =	sadd.s32 @!p0 s3, s7;
	s7 =	simm.s32 @!p0 $0x108  }
0x21: {  	s3 =	sadd.s32 s3, s9;
	s6 =	sadd.s32 @!p0 $0x88, s6;
	s7 =	simm.s32 @p2 $0x1082  }
0x22: {  	[simem:s7], [sflag:s8] =	dma.local @!p0 [hbm:s6], $0xF7A  }
0x23: {  	s9 =	sor.u32 $0xD0000000, s2;
	s6 =	simm.s32 $0x108;
	_ =	swait.ge @!p0 [sflag:s8], $0x0  }
0x24: {  	s3 =	sadd.s32 $0x88, s3;
	s6 =	simm.s32 @!p1 $0x1082;
	[sflag:s4] =	ssyncset.s32 $0xFFFFF086  }
0x25: {  	[simem:s6], [sflag:s4] =	dma.local [hbm:s3], $0xF7A  }
0x26: {  	[smem:$0x3F9E] =	sst s1;
	(tag) =	ssettag s2;
	_ =	strace s9  }
0x27: {  	s1 =	sld [smem:$0x3FAE]  }
0x28: {  	s2 =	sld [smem:$0x3FAF]  }
0x29: {  	s4 =	sld [smem:$0x3FB1]  }
0x2a: {  	p0 =	seq.s32 s5, $0x0;
	s5 =	sld [smem:$0x3FB2]  }
0x2b: {  	s6 =	sld [smem:$0x3FB3]  }
0x2c: {  	s7 =	sld [smem:$0x3FB4]  }
0x2d: {  	s3 =	simm.s32 $0x108;
	s8 =	sld [smem:$0x3FB5]  }
0x2e: {  	s3 =	simm.s32 @!p0 $0x1082;
	s9 =	sld [smem:$0x3FB6]  }
0x2f: {  	lr =	sadd.s32 s0, s3;
	s0 =	sld [smem:$0x3FAD]  }
0x30: {  	s3 =	sld [smem:$0x3FB0]  }
0x31: {  	[smem:$0x3FB9] =	sst s10  }
0x32: {  	s10 =	sld [smem:$0x3FB7];
	_ =	sdelay $0x3  }
0x33: {  	p0 =	seq.s32 s10, $0x1;
	s10 =	sld [smem:$0x3FB9];
	_ =	sdelay $0x3  }
0x34: {  	[smem:$0x3FB9] =	sst s10  }
0x35: {  	s10 =	sld [smem:$0x3FB8];
	_ =	sdelay $0x3  }
0x36: {  	p1 =	seq.s32 s10, $0x1;
	s10 =	sld [smem:$0x3FB9];
	_ =	sdelay $0x3  }
0x37: {  	[smem:$0x3FB9] =	sst s10  }
0x38: {  	s10 =	sld [smem:$0x3FBA]  }
0x39: {  	_ = 	snop;
	(pc) =	sbr.ind lr, $3  }
0x3a: {  	_ = 	snop  }
0x3b: {  	_ = 	snop  }
0x3c: {  	p2 =	seq.s32 s10, $0x1;
	s10 =	sld [smem:$0x3FB9]  }
0x3d: {  	_ =	shalt  }
0x3e: {  	_ =	shalt  }
0x3f: {  	_ =	shalt  }
0x40: {  	_ =	shalt  }
0x41: {  	_ =	shalt  }
0x42: {  	_ =	shalt  }
0x43: {  	_ =	shalt  }
0x44: {  	_ =	shalt  }
0x45: {  	_ =	shalt  }
0x46: {  	_ =	shalt  }
0x47: {  	_ =	shalt  }
0x48: {  	_ =	shalt  }
0x49: {  	_ =	shalt  }
0x4a: {  	_ =	shalt  }
0x4b: {  	_ =	shalt  }
0x4c: {  	_ =	shalt  }
0x4d: {  	_ =	shalt  }
0x4e: {  	_ =	shalt  }
0x4f: {  	_ =	shalt  }
0x50: {  	_ =	shalt  }
0x51: {  	_ =	shalt  }
0x52: {  	_ =	shalt  }
0x53: {  	_ =	shalt  }
0x54: {  	_ =	shalt  }
0x55: {  	_ =	shalt  }
0x56: {  	_ =	shalt  }
0x57: {  	_ =	shalt  }
0x58: {  	_ =	shalt  }
0x59: {  	_ =	shalt  }
0x5a: {  	_ =	shalt  }
0x5b: {  	_ =	shalt  }
0x5c: {  	_ =	shalt  }
0x5d: {  	_ =	shalt  }
0x5e: {  	_ =	shalt  }
0x5f: {  	_ =	shalt  }
0x60: {  	_ =	shalt  }
0x61: {  	_ =	shalt  }
0x62: {  	_ =	shalt  }
0x63: {  	_ =	shalt  }
0x64: {  	_ =	shalt  }
0x65: {  	_ =	shalt  }
0x66: {  	_ =	shalt  }
0x67: {  	_ =	shalt  }
0x68: {  	_ =	shalt  }
0x69: {  	_ =	shalt  }
0x6a: {  	_ =	shalt  }
0x6b: {  	_ =	shalt  }
0x6c: {  	_ =	shalt  }
0x6d: {  	_ =	shalt  }
0x6e: {  	_ =	shalt  }
0x6f: {  	_ =	shalt  }
0x70: {  	_ =	shalt  }
0x71: {  	_ =	shalt  }
0x72: {  	_ =	shalt  }
0x73: {  	_ =	shalt  }
0x74: {  	_ =	shalt  }
0x75: {  	_ =	shalt  }
0x76: {  	_ =	shalt  }
0x77: {  	_ =	shalt  }
0x78: {  	_ =	shalt  }
0x79: {  	_ =	shalt  }
0x7a: {  	_ =	shalt  }
0x7b: {  	_ =	shalt  }
0x7c: {  	_ =	shalt  }
0x7d: {  	_ =	shalt  }
0x7e: {  	_ =	shalt  }
0x7f: {  	_ =	shalt  }
0x80: {  	_ =	shalt  }
0x81: {  	_ =	shalt  }
0x82: {  	_ =	shalt  }
0x83: {  	_ =	shalt  }
0x84: {  	_ =	shalt  }
0x85: {  	_ =	shalt  }
0x86: {  	_ =	shalt  }
0x87: {  	_ =	shalt  }
.Lfunc_end0:
.L_simem_size_0:
called_computation_lowered:
.L_overlay_start_0:
0x88: {  	s2 =	sld [smem:$0x3FD9]  }
0x89: {  	s3 =	sld [smem:$0x3FFE];
	_ =	sdelay $0x1  }
0x8a: {  	s1 =	srdreg.scid  }
0x8b: {  	s0 =	sand.u32 $0x1, s1  }
0x8c: {  	s17 =	sshll.u32 s0, $0xA;
	s2 =	sadd.s32 s3, s2  }
0x8d: {  	s2 =	sadd.s32 s2, s17  }
0x8e: {  	[smem:$0x3FC5] =	sst s2  }
0x8f: {  	_ = 	snop  }
0x90: {  	s2 =	sld [smem:$0x3FC8]  }
0x91: {  	s18 =	sld [smem:$0x3FD0];
	(tm) =	ssettm $0x1  }
0x92: {  	s4 =	sld [smem:$0x3FFB];
	_ =	sdelay $0x3  }
0x93: {  	_ =	strace s4  }
0x94: {  	s4 =	sld [smem:$0x3FFC];
	_ =	sdelay $0x3  }
0x95: {  	_ =	strace s4  }
0x96: {  	s4 =	sld [smem:$0x3FFD];
	_ =	sdelay $0x3  }
0x97: {  	_ =	strace s4  }
0x98: {  	_ =	strace $0x8FFFFFFF  }
0x99: {  	s19 =	sld [smem:$0x3FDB];
	_ =	sdelay $0x1  }
0x9a: {  	s5 =	simm.s32 $_scs_section_size  }
0x9b: {  	s6 =	simm.s32 $_size__tile_overlayer_lowered;
	s7 =	simm.s32 $_tile_overlayer_lowered  }
0x9c: {  	s22 =	simm.s32 $0x1BFF;
	s21 =	sshll.u32 s7, $0x1;
	s4 =	sadd.s32 s5, s19  }
0x9d: {  	s8 =	simm.s32 $0x0;
	s20 =	sshll.u32 s6, $0x1;
	s6 =	sadd.s32 s21, s4  }
0x9e: {  	[timem:s8], [sflag:s22] =	dma.local [hbm:s6], s20  }
0x9f: {  	_ =	swait.ge [sflag:s22], s20  }
0xa0: {  	s5 =	ssub.s32 $0x0, s20;
	[sflag:s22] =	ssyncset.done $0x0  }
0xa1: {  	[sflag:s22] =	ssyncadd.s32 s5;
	_ =	sdelay $0x1  }
0xa2: {  	s23 =	simm.s32 $0x1B8B  }
0xa3: {  	_ =	swait.ge [sflag:s23], $0x1  }
0xa4: {  	[sflag:s23] =	ssyncset.done $0x0  }
0xa5: {  	s25 =	simm.s32 $0x1B8E;
	s24 =	sld [smem:$0x3FFE];
	[sflag:s23] =	ssyncadd.s32 $0xFFFFFFFF  }
0xa6: {  	s26 =	simm.s32 $execute0_lowered;
	[smem:$0x3FD2] =	sst s25  }
0xa7: {  	s6 =	sshll.u32 s26, $0x1;
	_ =	strace $0x80000046;
	[dreg:$0x1] =	wrdreg $0xFFFFFFFF  }
0xa8: {  	s28 =	simm.s32 $_size_execute0_lowered;
	s4 =	sadd.s32 s4, s6;
	[dreg:$0x0] =	wrdreg $0x0  }
0xa9: {  	s6 =	sshll.u32 s28, $0x1;
	[dreg:$0x2] =	wrdreg s4  }
0xaa: {  	[dreg:$0x3] =	wrdreg s6  }
0xab: {  	[dreg:$0x4] =	wrdreg $0xC0  }
0xac: {  	_ =	task [dreg:s8], $0x5FFFF  }
0xad: {  	[dreg:$0x1] =	wrdreg $0xFFFFFFFF  }
0xae: {  	[dreg:$0x0] =	wrdreg $0x60  }
0xaf: {  	[dreg:$0x2] =	wrdreg s24  }
0xb0: {  	[dreg:$0x3] =	wrdreg s2  }
0xb1: {  	[dreg:$0x4] =	wrdreg s18  }
0xb2: {  	[dreg:$0x5] =	wrdreg $0x9  }
0xb3: {  	_ =	task.clear_ibuf [dreg:s8], $0x6FFFF;
	_ =	strace $0x90000046  }
0xb4: {  	s29 =	simm.s32 $0x9;
	_ =	strace $0x80000048  }
0xb5: {  	_ =	swait.ge [sflag:s29], $0x1  }
0xb6: {  	[sflag:s29] =	ssyncadd.s32 $0xFFFFFFFF  }
0xb7: {  	_ =	strace $0x90000048  }
0xb8: {  	_ =	sfence  }
0xb9: {  	s30 =	sld [smem:$0x0];
	_ =	sdelay $0x2  }
0xba: {  	s31 =	sshll.u32 s1, $0xD;
	s1 =	sshrl.u32 s1, $0x2  }
0xbb: {  	s3 =	sand.u32 $0x4000, s31;
	s1 =	sadd.s32 s1, s30  }
0xbc: {  	s0 =	sor.u32 s3, s0;
	s1 =	sshll.u32 s1, $0x11  }
0xbd: {  	s0 =	sor.u32 s1, s0  }
0xbe: {  	s0 =	sadd.s32 $0x8F2B, s0  }
0xbf: {  	[sflag:s0] =	ssyncadd.remote.s32 $0x1  }
0xc0: {  	_ =	sfence.sel $0xFFFF  }
0xc1: {  	[dreg:$0x0] =	wrdreg $0xFFFFFFFF;
	(pc) =	sbr.abs _section_cstart, $3  }
0xc2: {  	[dreg:$0x1] =	wrdreg $0xFFFFFFFF  }
0xc3: {  	_ =	task.clear_ibuf [dreg:s8], $0x2FFFF;
	_ =	strace $0x9FFFFFFF  }
0xc4: {  	(tm) =	ssettm $0x7FFFFFFF  }
0xc5: {  	_ =	shalt  }
tec
execute0_lowered:
.L_overlay_start_1:
0x0: {  	(tag) =	ssettag $0x1  }
0x1: {  	s0 =	rddreg [dreg:$0x0]  }
0x2: {  	s2 =	rddreg [dreg:$0x1];
	s1 =	srdreg.scid  }
0x3: {  	s3 =	stileid.u32;
	s7 =	rddreg [dreg:$0x2];
	s10 =	simm.s32 $0x2  }
0x4: {  	s12 =	simm.s32 $0x80;
	s16 =	simm.s32 $0x3500;
	s17 =	simm.s32 $0x180  }
0x5: {  	s18 =	simm.s32 $0x3580;
	s19 =	simm.s32 $0x200;
	s20 =	simm.s32 $0x3600  }
0x6: {  	s21 =	simm.s32 $0x280;
	s22 =	simm.s32 $0x3680;
	s23 =	simm.s32 $0x300  }
0x7: {  	s24 =	simm.s32 $0x3700;
	s25 =	simm.s32 $0x380;
	s28 =	simm.s32 $0x1  }
0x8: {  	s29 =	simm.s32 $0x6800;
	s30 =	simm.s32 $0x0;
	s1 =	sand.u32 $0x1, s1  }
0x9: {  	s4 =	sshll.u32 s3, $0x1;
	s3 =	simm.s32 $0x0;
	s9 =	sadd.s32 $0x3D0A0, s2  }
0xa: {  	s6 =	sor.u32 s1, s4;
	[smem:$0x7FF] =	sst s3;
	s1 =	ssub.s32 $0x2, s1  }
0xb: {  	s4 =	smul.u32 $0x680, s6;
	_ =	strace $0x80000047;
	s31 =	sshll.u32 s6, $0x6  }
0xc: {  	s26 =	sshrl.u32 s1, $0x1;
	s6 =	sadd.s32 $0x1E850, s2;
	s7 =	sadd.s32 s7, s31  }
0xd: {  	s5 =	sadd.s32 s4, s0;
	s4 =	sadd.s32 $0xD400, s0;
	s0 =	ssub.s32 s1, s26  }
0xe: {  	s26 =	simm.s32 $0x3780;
	s5 =	sadd.s32 $0x400, s5;
	s8 =	smax.u32 s0, $0x1  }
.LBB2_1:
0xf: {  	[tilespmem:s3], [sflag:$0x2] =	stream.linear.gather [hbm4b:s5+s3], $0x3400, $0x38;
	[tilespmem:$0x6A80] =	vst v63  }
0x10: {  	_ =	swait.ge [sflag:s10], $0x3400  }
0x11: {  	[sflag:s10] =	ssyncset.done $0x0  }
0x12: {  	s0 =	simm.s32 $0x6A00;
	[sflag:s10] =	ssyncadd.s32 $0xFFFFCC00  }
0x13: {  	[tilespmem:s0], [sflag:$0x2] =	stream.linear.gather [hbm4b:s4+s3], $0x80, $0x38;
	[tilespmem:$0x6A80] =	vst v63  }
0x14: {  	_ =	swait.ge [sflag:s10], $0x80  }
0x15: {  	[sflag:s10] =	ssyncset.done $0x0  }
0x16: {  	s15 =	simm.s32 $0x3400;
	[sflag:s10] =	ssyncadd.s32 $0xFFFFFF80  }
0x17: {  	[tilespmem:s15], [sflag:$0x1] =	stream.indirect.gather [hbm4b:s2+s12], $0x1, s3, s12, $0xb8;
	[tilespmem:$0x6A80] =	vst v63  }
0x18: {  	s1 =	simm.s32 $0x3480  }
0x19: {  	[tilespmem:s1], [sflag:$0x1] =	stream.indirect.gather [hbm4b:s2+s12], $0x1, s12, s12, $0xb8;
	[tilespmem:$0x6A80] =	vst v63  }
0x1a: {  	s11 =	simm.s32 $0x100  }
0x1b: {  	[tilespmem:s16], [sflag:$0x1] =	stream.indirect.gather [hbm4b:s2+s12], $0x1, s11, s12, $0xb8;
	[tilespmem:$0x6A80] =	vst v63  }
0x1c: {  	_ = 	snop  }
0x1d: {  	[tilespmem:s18], [sflag:$0x1] =	stream.indirect.gather [hbm4b:s2+s12], $0x1, s17, s12, $0xb8;
	[tilespmem:$0x6A80] =	vst v63  }
0x1e: {  	_ = 	snop  }
0x1f: {  	[tilespmem:s20], [sflag:$0x1] =	stream.indirect.gather [hbm4b:s6+s12], $0x1, s19, s12, $0xb8;
	[tilespmem:$0x6A80] =	vst v63  }
0x20: {  	_ = 	snop  }
0x21: {  	[tilespmem:s22], [sflag:$0x1] =	stream.indirect.gather [hbm4b:s6+s12], $0x1, s21, s12, $0xb8;
	[tilespmem:$0x6A80] =	vst v63  }
0x22: {  	_ = 	snop  }
0x23: {  	[tilespmem:s24], [sflag:$0x1] =	stream.indirect.gather [hbm4b:s6+s12], $0x1, s23, s12, $0xb8;
	[tilespmem:$0x6A80] =	vst v63  }
0x24: {  	_ = 	snop  }
0x25: {  	[tilespmem:s26], [sflag:$0x1] =	stream.indirect.gather [hbm4b:s6+s12], $0x1, s25, s12, $0xb8;
	[tilespmem:$0x6A80] =	vst v63  }
0x26: {  	s13 =	simm.s32 $0x400;
	s1 =	simm.s32 $0x3800  }
0x27: {  	[tilespmem:s1], [sflag:$0x1] =	stream.indirect.gather [hbm4b:s9+s12], $0x1, s13, s12, $0xb8;
	[tilespmem:$0x6A80] =	vst v63  }
0x28: {  	s14 =	simm.s32 $0x480;
	s15 =	simm.s32 $0x3880  }
0x29: {  	[tilespmem:s15], [sflag:$0x1] =	stream.indirect.gather [hbm4b:s9+s12], $0x1, s14, s12, $0xb8;
	[tilespmem:$0x6A80] =	vst v63  }
0x2a: {  	s11 =	simm.s32 $0x500;
	s13 =	simm.s32 $0x3900  }
0x2b: {  	[tilespmem:s13], [sflag:$0x1] =	stream.indirect.gather [hbm4b:s9+s12], $0x1, s11, s12, $0xb8;
	[tilespmem:$0x6A80] =	vst v63  }
0x2c: {  	s14 =	simm.s32 $0x580;
	s15 =	simm.s32 $0x3980  }
0x2d: {  	[tilespmem:s15], [sflag:$0x1] =	stream.indirect.gather [hbm4b:s9+s12], $0x1, s14, s12, $0xb8;
	[tilespmem:$0x6A80] =	vst v63  }
0x2e: {  	s1 =	simm.s32 $0x600;
	s13 =	simm.s32 $0x3A00;
	s11 =	sadd.s32 $0x1E850, s9  }
0x2f: {  	[tilespmem:s13], [sflag:$0x1] =	stream.indirect.gather [hbm4b:s11+s12], $0x1, s1, s12, $0xb8;
	[tilespmem:$0x6A80] =	vst v63  }
0x30: {  	s14 =	simm.s32 $0x680;
	s15 =	simm.s32 $0x3A80  }
0x31: {  	[tilespmem:s15], [sflag:$0x1] =	stream.indirect.gather [hbm4b:s11+s12], $0x1, s14, s12, $0xb8;
	[tilespmem:$0x6A80] =	vst v63  }
0x32: {  	s1 =	simm.s32 $0x700;
	s13 =	simm.s32 $0x3B00  }
0x33: {  	[tilespmem:s13], [sflag:$0x1] =	stream.indirect.gather [hbm4b:s11+s12], $0x1, s1, s12, $0xb8;
	[tilespmem:$0x6A80] =	vst v63  }
0x34: {  	s14 =	simm.s32 $0x780;
	s15 =	simm.s32 $0x3B80  }
0x35: {  	[tilespmem:s15], [sflag:$0x1] =	stream.indirect.gather [hbm4b:s11+s12], $0x1, s14, s12, $0xb8;
	[tilespmem:$0x6A80] =	vst v63  }
0x36: {  	_ =	swait.ge [sflag:s28], $0x80  }
0x37: {  	[sflag:s28] =	ssyncset.done $0x0  }
0x38: {  	[sflag:s28] =	ssyncadd.s32 $0xFFFFFF80  }
0x39: {  	_ =	swait.ge [sflag:s28], $0x80  }
0x3a: {  	[sflag:s28] =	ssyncset.done $0x0  }
0x3b: {  	[sflag:s28] =	ssyncadd.s32 $0xFFFFFF80  }
0x3c: {  	_ =	swait.ge [sflag:s28], $0x80  }
0x3d: {  	[sflag:s28] =	ssyncset.done $0x0  }
0x3e: {  	[sflag:s28] =	ssyncadd.s32 $0xFFFFFF80  }
0x3f: {  	_ =	swait.ge [sflag:s28], $0x80  }
0x40: {  	[sflag:s28] =	ssyncset.done $0x0  }
0x41: {  	[sflag:s28] =	ssyncadd.s32 $0xFFFFFF80  }
0x42: {  	_ =	swait.ge [sflag:s28], $0x80  }
0x43: {  	[sflag:s28] =	ssyncset.done $0x0  }
0x44: {  	[sflag:s28] =	ssyncadd.s32 $0xFFFFFF80  }
0x45: {  	_ =	swait.ge [sflag:s28], $0x80  }
0x46: {  	[sflag:s28] =	ssyncset.done $0x0  }
0x47: {  	[sflag:s28] =	ssyncadd.s32 $0xFFFFFF80  }
0x48: {  	_ =	swait.ge [sflag:s28], $0x80  }
0x49: {  	[sflag:s28] =	ssyncset.done $0x0  }
0x4a: {  	[sflag:s28] =	ssyncadd.s32 $0xFFFFFF80  }
0x4b: {  	s31 =	simm.s32 $0x2000;
	_ =	swait.ge [sflag:s28], $0x80  }
0x4c: {  	s0 =	sadd.s32 $0x3D0A0, s9;
	s13 =	simm.s32 $0x400;
	[sflag:s28] =	ssyncset.done $0x0  }
.LBB2_2:
0x4d: {  	s11 =	sadd.s32 $0x400, s13  }
0x4e: {  	s14 =	sadd.s32 $0x3800, s13;
	[sflag:s28] =	ssyncadd.s32 $0xFFFFFF80;
	s1 =	smov.u32 s31  }
0x4f: {  	[tilespmem:s14], [sflag:$0x1] =	stream.indirect.gather [hbm4b:s0+s12], $0x1, s11, s12, $0xb8;
	[tilespmem:$0x6A80] =	vst v63  }
0x50: {  	s15 =	sadd.s32 $0x3880, s13;
	s11 =	sadd.s32 $0x1000, s31;
	s14 =	sadd.s32 $0x480, s13  }
0x51: {  	[tilespmem:s15], [sflag:$0x1] =	stream.indirect.gather [hbm4b:s0+s12], $0x1, s14, s12, $0xb8;
	[tilespmem:$0x6A80] =	vst v63  }
0x52: {  	p0 =	sne.s32 s31, $0xB000;
	s14 =	sadd.s32 $0x500, s13;
	s15 =	sadd.s32 $0x3900, s13  }
0x53: {  	[tilespmem:s15], [sflag:$0x1] =	stream.indirect.gather [hbm4b:s0+s12], $0x1, s14, s12, $0xb8;
	[tilespmem:$0x6A80] =	vst v63  }
0x54: {  	s14 =	sadd.s32 $0x580, s13;
	s15 =	sadd.s32 $0x3980, s13  }
0x55: {  	[tilespmem:s15], [sflag:$0x1] =	stream.indirect.gather [hbm4b:s0+s12], $0x1, s14, s12, $0xb8;
	[tilespmem:$0x6A80] =	vst v63  }
0x56: {  	s31 =	sadd.s32 $0x1E850, s0;
	s14 =	sadd.s32 $0x600, s13;
	s15 =	sadd.s32 $0x3A00, s13  }
0x57: {  	[tilespmem:s15], [sflag:$0x1] =	stream.indirect.gather [hbm4b:s31+s12], $0x1, s14, s12, $0xb8;
	[tilespmem:$0x6A80] =	vst v63  }
0x58: {  	s14 =	sadd.s32 $0x680, s13;
	s15 =	sadd.s32 $0x3A80, s13  }
0x59: {  	[tilespmem:s15], [sflag:$0x1] =	stream.indirect.gather [hbm4b:s31+s12], $0x1, s14, s12, $0xb8;
	[tilespmem:$0x6A80] =	vst v63  }
0x5a: {  	s14 =	sadd.s32 $0x700, s13;
	s15 =	sadd.s32 $0x3B00, s13  }
0x5b: {  	[tilespmem:s15], [sflag:$0x1] =	stream.indirect.gather [hbm4b:s31+s12], $0x1, s14, s12, $0xb8;
	[tilespmem:$0x6A80] =	vst v63  }
0x5c: {  	s14 =	sadd.s32 $0x780, s13;
	s13 =	sadd.s32 $0x3B80, s13  }
0x5d: {  	[tilespmem:s13], [sflag:$0x1] =	stream.indirect.gather [hbm4b:s31+s12], $0x1, s14, s12, $0xb8;
	[tilespmem:$0x6A80] =	vst v63  }
0x5e: {  	_ =	swait.ge [sflag:s28], $0x80  }
0x5f: {  	[sflag:s28] =	ssyncset.done $0x0  }
0x60: {  	[sflag:s28] =	ssyncadd.s32 $0xFFFFFF80  }
0x61: {  	_ =	swait.ge [sflag:s28], $0x80  }
0x62: {  	[sflag:s28] =	ssyncset.done $0x0  }
0x63: {  	[sflag:s28] =	ssyncadd.s32 $0xFFFFFF80  }
0x64: {  	_ =	swait.ge [sflag:s28], $0x80  }
0x65: {  	[sflag:s28] =	ssyncset.done $0x0  }
0x66: {  	[sflag:s28] =	ssyncadd.s32 $0xFFFFFF80  }
0x67: {  	_ =	swait.ge [sflag:s28], $0x80  }
0x68: {  	[sflag:s28] =	ssyncset.done $0x0  }
0x69: {  	[sflag:s28] =	ssyncadd.s32 $0xFFFFFF80  }
0x6a: {  	_ =	swait.ge [sflag:s28], $0x80  }
0x6b: {  	[sflag:s28] =	ssyncset.done $0x0  }
0x6c: {  	[sflag:s28] =	ssyncadd.s32 $0xFFFFFF80  }
0x6d: {  	_ =	swait.ge [sflag:s28], $0x80  }
0x6e: {  	[sflag:s28] =	ssyncset.done $0x0  }
0x6f: {  	[sflag:s28] =	ssyncadd.s32 $0xFFFFFF80  }
.Ltmp0:
0x70: {  	_ =	swait.ge [sflag:s28], $0x80;
	(pc) =	sbr.rel @p0 .LBB2_2-.Ltmp0, $4  }
0x71: {  	[sflag:s28] =	ssyncset.done $0x0  }
0x72: {  	[sflag:s28] =	ssyncadd.s32 $0xFFFFFF80  }
0x73: {  	s0 =	sadd.s32 $0x3D0A0, s0;
	_ =	swait.ge [sflag:s28], $0x80  }
0x74: {  	s13 =	sshra.s32 s1, $0x2;
	s31 =	smov.u32 s11;
	[sflag:s28] =	ssyncset.done $0x0  }
0x75: {  	s1 =	sadd.s32 $0x400, s13;
	s11 =	sadd.s32 $0x3800, s13;
	[sflag:s28] =	ssyncadd.s32 $0xFFFFFF80  }
0x76: {  	[tilespmem:s11], [sflag:$0x1] =	stream.indirect.gather [hbm4b:s0+s12], $0x1, s1, s12, $0xb8;
	[tilespmem:$0x6A80] =	vst v63  }
0x77: {  	s14 =	sadd.s32 $0x480, s13;
	s15 =	sadd.s32 $0x3880, s13  }
0x78: {  	[tilespmem:s15], [sflag:$0x1] =	stream.indirect.gather [hbm4b:s0+s12], $0x1, s14, s12, $0xb8;
	[tilespmem:$0x6A80] =	vst v63  }
0x79: {  	s14 =	sadd.s32 $0x500, s13;
	s15 =	sadd.s32 $0x3900, s13  }
0x7a: {  	[tilespmem:s15], [sflag:$0x1] =	stream.indirect.gather [hbm4b:s0+s12], $0x1, s14, s12, $0xb8;
	[tilespmem:$0x6A80] =	vst v63  }
0x7b: {  	s14 =	sadd.s32 $0x580, s13;
	s15 =	sadd.s32 $0x3980, s13  }
0x7c: {  	[tilespmem:s15], [sflag:$0x1] =	stream.indirect.gather [hbm4b:s0+s12], $0x1, s14, s12, $0xb8;
	[tilespmem:$0x6A80] =	vst v63  }
0x7d: {  	s14 =	sadd.s32 $0x600, s13;
	s15 =	sadd.s32 $0x3A00, s13;
	s0 =	sadd.s32 $0x1E850, s0  }
0x7e: {  	[tilespmem:s15], [sflag:$0x1] =	stream.indirect.gather [hbm4b:s0+s12], $0x1, s14, s12, $0xb8;
	[tilespmem:$0x6A80] =	vst v63  }
0x7f: {  	s14 =	sadd.s32 $0x680, s13;
	s15 =	sadd.s32 $0x3A80, s13  }
0x80: {  	[tilespmem:s15], [sflag:$0x1] =	stream.indirect.gather [hbm4b:s0+s12], $0x1, s14, s12, $0xb8;
	[tilespmem:$0x6A80] =	vst v63  }
0x81: {  	s14 =	sadd.s32 $0x700, s13;
	s15 =	sadd.s32 $0x3B00, s13  }
0x82: {  	[tilespmem:s15], [sflag:$0x1] =	stream.indirect.gather [hbm4b:s0+s12], $0x1, s14, s12, $0xb8;
	[tilespmem:$0x6A80] =	vst v63  }
0x83: {  	s14 =	sadd.s32 $0x780, s13;
	s15 =	sadd.s32 $0x3B80, s13  }
0x84: {  	[tilespmem:s15], [sflag:$0x1] =	stream.indirect.gather [hbm4b:s0+s12], $0x1, s14, s12, $0xb8;
	[tilespmem:$0x6A80] =	vst v63  }
0x85: {  	_ =	swait.ge [sflag:s28], $0x80  }
0x86: {  	[sflag:s28] =	ssyncset.done $0x0  }
0x87: {  	[sflag:s28] =	ssyncadd.s32 $0xFFFFFF80  }
0x88: {  	_ =	swait.ge [sflag:s28], $0x80  }
0x89: {  	[sflag:s28] =	ssyncset.done $0x0  }
0x8a: {  	[sflag:s28] =	ssyncadd.s32 $0xFFFFFF80  }
0x8b: {  	_ =	swait.ge [sflag:s28], $0x80  }
0x8c: {  	[sflag:s28] =	ssyncset.done $0x0  }
0x8d: {  	[sflag:s28] =	ssyncadd.s32 $0xFFFFFF80  }
0x8e: {  	_ =	swait.ge [sflag:s28], $0x80  }
0x8f: {  	[sflag:s28] =	ssyncset.done $0x0  }
0x90: {  	[sflag:s28] =	ssyncadd.s32 $0xFFFFFF80  }
0x91: {  	_ =	swait.ge [sflag:s28], $0x80  }
0x92: {  	[sflag:s28] =	ssyncset.done $0x0  }
0x93: {  	[sflag:s28] =	ssyncadd.s32 $0xFFFFFF80  }
0x94: {  	_ =	swait.ge [sflag:s28], $0x80  }
0x95: {  	[sflag:s28] =	ssyncset.done $0x0  }
0x96: {  	[sflag:s28] =	ssyncadd.s32 $0xFFFFFF80  }
0x97: {  	_ =	swait.ge [sflag:s28], $0x80  }
0x98: {  	[sflag:s28] =	ssyncset.done $0x0  }
0x99: {  	[sflag:s28] =	ssyncadd.s32 $0xFFFFFF80  }
0x9a: {  	_ =	swait.ge [sflag:s28], $0x80  }
0x9b: {  	[sflag:s28] =	ssyncset.done $0x0  }
0x9c: {  	[sflag:s28] =	ssyncadd.s32 $0xFFFFFF80  }
0x9d: {  	_ =	swait.ge [sflag:s28], $0x80  }
0x9e: {  	[sflag:s28] =	ssyncset.done $0x0  }
0x9f: {  	[sflag:s28] =	ssyncadd.s32 $0xFFFFFF80  }
0xa0: {  	_ =	swait.ge [sflag:s28], $0x80  }
0xa1: {  	[sflag:s28] =	ssyncset.done $0x0  }
0xa2: {  	[sflag:s28] =	ssyncadd.s32 $0xFFFFFF80  }
0xa3: {  	_ =	swait.ge [sflag:s28], $0x80  }
0xa4: {  	[sflag:s28] =	ssyncset.done $0x0  }
0xa5: {  	[sflag:s28] =	ssyncadd.s32 $0xFFFFFF80  }
0xa6: {  	_ =	swait.ge [sflag:s28], $0x80  }
0xa7: {  	[sflag:s28] =	ssyncset.done $0x0  }
0xa8: {  	[sflag:s28] =	ssyncadd.s32 $0xFFFFFF80  }
0xa9: {  	_ =	swait.ge [sflag:s28], $0x80  }
0xaa: {  	[sflag:s28] =	ssyncset.done $0x0  }
0xab: {  	[sflag:s28] =	ssyncadd.s32 $0xFFFFFF80  }
0xac: {  	_ =	swait.ge [sflag:s28], $0x80  }
0xad: {  	[sflag:s28] =	ssyncset.done $0x0  }
0xae: {  	[sflag:s28] =	ssyncadd.s32 $0xFFFFFF80  }
0xaf: {  	_ =	swait.ge [sflag:s28], $0x80  }
0xb0: {  	[sflag:s28] =	ssyncset.done $0x0  }
0xb1: {  	[sflag:s28] =	ssyncadd.s32 $0xFFFFFF80  }
0xb2: {  	s13 =	simm.s32 $0x0;
	s14 =	simm.s32 $0x0;
	_ =	swait.ge [sflag:s28], $0x80  }
0xb3: {  	s0 =	sand.u32 $0x70, s13;
	s1 =	sand.u32 $0x180, s14;
	[sflag:s28] =	ssyncset.done $0x0  }
0xb4: {  	s0 =	sor.u32 s0, s1;
	[sflag:s28] =	ssyncadd.s32 $0xFFFFFF80  }
0xb5: {  	v0 =	vld [tilespmem:s0+$0x3400]  }
0xb6: {  	v1 =	vld [tilespmem:$0x6A00];
	_ =	sdelay $0x1  }
0xb7: {  	v2 =	vld [tilespmem:s0+$0x3600];
	_ =	sdelay $0x1  }
0xb8: {  	v3 =	vld [tilespmem:s0+$0x3800]  }
0xb9: {  	v0 =	vadd.f32 v0, v1  }
0xba: {  	v1 =	vld [tilespmem:s0+$0x3A00]  }
0xbb: {  	v0 =	vadd.f32 v2, v0  }
0xbc: {  	v2 =	vld [tilespmem:s0+$0x3C00]  }
0xbd: {  	v0 =	vadd.f32 v3, v0  }
0xbe: {  	v3 =	vld [tilespmem:s0+$0x3E00]  }
0xbf: {  	v0 =	vadd.f32 v1, v0  }
0xc0: {  	v1 =	vld [tilespmem:s0+$0x4000]  }
0xc1: {  	v0 =	vadd.f32 v2, v0  }
0xc2: {  	v2 =	vld [tilespmem:s0+$0x4200]  }
0xc3: {  	v0 =	vadd.f32 v3, v0  }
0xc4: {  	v3 =	vld [tilespmem:s0+$0x4400]  }
0xc5: {  	v0 =	vadd.f32 v1, v0  }
0xc6: {  	v1 =	vld [tilespmem:s0+$0x4600]  }
0xc7: {  	v0 =	vadd.f32 v2, v0  }
0xc8: {  	v2 =	vld [tilespmem:s0+$0x4800]  }
0xc9: {  	v0 =	vadd.f32 v3, v0  }
0xca: {  	v3 =	vld [tilespmem:s0+$0x4A00]  }
0xcb: {  	v0 =	vadd.f32 v1, v0  }
0xcc: {  	v1 =	vld [tilespmem:s0+$0x4C00]  }
0xcd: {  	v0 =	vadd.f32 v2, v0  }
0xce: {  	v2 =	vld [tilespmem:s0+$0x4E00]  }
0xcf: {  	v0 =	vadd.f32 v3, v0  }
0xd0: {  	v3 =	vld [tilespmem:s0+$0x5000]  }
0xd1: {  	v0 =	vadd.f32 v1, v0  }
0xd2: {  	v1 =	vld [tilespmem:s0+$0x5200]  }
0xd3: {  	v0 =	vadd.f32 v2, v0  }
0xd4: {  	v2 =	vld [tilespmem:s0+$0x5400]  }
0xd5: {  	v0 =	vadd.f32 v3, v0  }
0xd6: {  	v3 =	vld [tilespmem:s0+$0x5600]  }
0xd7: {  	v0 =	vadd.f32 v1, v0  }
0xd8: {  	v1 =	vld [tilespmem:s0+$0x5800]  }
0xd9: {  	v0 =	vadd.f32 v2, v0  }
0xda: {  	v2 =	vld [tilespmem:s0+$0x5A00]  }
0xdb: {  	v0 =	vadd.f32 v3, v0  }
0xdc: {  	v3 =	vld [tilespmem:s0+$0x5C00]  }
0xdd: {  	v0 =	vadd.f32 v1, v0  }
0xde: {  	v1 =	vld [tilespmem:s0+$0x5E00]  }
0xdf: {  	v0 =	vadd.f32 v2, v0  }
0xe0: {  	v2 =	vld [tilespmem:s0+$0x6000]  }
0xe1: {  	v0 =	vadd.f32 v3, v0  }
0xe2: {  	v3 =	vld [tilespmem:s0+$0x6200]  }
0xe3: {  	v0 =	vadd.f32 v1, v0  }
0xe4: {  	v1 =	vld [tilespmem:s0+$0x6400]  }
0xe5: {  	v0 =	vadd.f32 v2, v0  }
0xe6: {  	v2 =	vld [tilespmem:s0+$0x6600]  }
0xe7: {  	v0 =	vadd.f32 v3, v0;
	_ =	sdelay $0x1  }
0xe8: {  	v0 =	vadd.f32 v1, v0  }
0xe9: {  	s31 =	simm.s32 $0x40  }
0xea: {  	s11 =	simm.s32 $0x0;
	s15 =	simm.s32 $0x10;
	s1 =	simm.s32 $0x10;
	v0 =	vadd.f32 v2, v0  }
0xeb: {  	s14 =	sand.u32 $0x180, s15;
	s13 =	sand.u32 $0x70, s1;
	s0 =	simm.s32 $0x80  }
.LBB2_4:
0xec: {  	p0 =	sne.s32 s0, $0x7C0;
	s13 =	sor.u32 s13, s14;
	[tilespmem:s11+$0x6800] =	vst v0;
	s11 =	smov.u32 s31  }
0xed: {  	s31 =	smov.u32 s0;
	v0 =	vld [tilespmem:s13+$0x3400]  }
0xee: {  	v1 =	vld [tilespmem:$0x6A00];
	_ =	sdelay $0x1  }
0xef: {  	v2 =	vld [tilespmem:s13+$0x3600];
	_ =	sdelay $0x1  }
0xf0: {  	v3 =	vld [tilespmem:s13+$0x3800]  }
0xf1: {  	v0 =	vadd.f32 v0, v1  }
0xf2: {  	v1 =	vld [tilespmem:s13+$0x3A00]  }
0xf3: {  	v0 =	vadd.f32 v2, v0  }
0xf4: {  	v2 =	vld [tilespmem:s13+$0x3C00]  }
0xf5: {  	v0 =	vadd.f32 v3, v0  }
0xf6: {  	v3 =	vld [tilespmem:s13+$0x3E00]  }
0xf7: {  	v0 =	vadd.f32 v1, v0  }
0xf8: {  	v1 =	vld [tilespmem:s13+$0x4000]  }
0xf9: {  	v0 =	vadd.f32 v2, v0  }
0xfa: {  	v2 =	vld [tilespmem:s13+$0x4200]  }
0xfb: {  	v0 =	vadd.f32 v3, v0  }
0xfc: {  	v3 =	vld [tilespmem:s13+$0x4400]  }
0xfd: {  	v0 =	vadd.f32 v1, v0  }
0xfe: {  	v1 =	vld [tilespmem:s13+$0x4600]  }
0xff: {  	v0 =	vadd.f32 v2, v0  }
0x100: {  	v2 =	vld [tilespmem:s13+$0x4800]  }
0x101: {  	v0 =	vadd.f32 v3, v0  }
0x102: {  	v3 =	vld [tilespmem:s13+$0x4A00]  }
0x103: {  	v0 =	vadd.f32 v1, v0  }
0x104: {  	v1 =	vld [tilespmem:s13+$0x4C00]  }
0x105: {  	v0 =	vadd.f32 v2, v0  }
0x106: {  	v2 =	vld [tilespmem:s13+$0x4E00]  }
0x107: {  	v0 =	vadd.f32 v3, v0  }
0x108: {  	v3 =	vld [tilespmem:s13+$0x5000]  }
0x109: {  	v0 =	vadd.f32 v1, v0  }
0x10a: {  	v1 =	vld [tilespmem:s13+$0x5200]  }
0x10b: {  	v0 =	vadd.f32 v2, v0  }
0x10c: {  	v2 =	vld [tilespmem:s13+$0x5400]  }
0x10d: {  	v0 =	vadd.f32 v3, v0  }
0x10e: {  	v3 =	vld [tilespmem:s13+$0x5600]  }
0x10f: {  	v0 =	vadd.f32 v1, v0  }
0x110: {  	v1 =	vld [tilespmem:s13+$0x5800]  }
0x111: {  	v0 =	vadd.f32 v2, v0  }
0x112: {  	v2 =	vld [tilespmem:s13+$0x5A00]  }
0x113: {  	v0 =	vadd.f32 v3, v0  }
0x114: {  	v3 =	vld [tilespmem:s13+$0x5C00]  }
0x115: {  	v0 =	vadd.f32 v1, v0  }
0x116: {  	v1 =	vld [tilespmem:s13+$0x5E00]  }
0x117: {  	v0 =	vadd.f32 v2, v0  }
0x118: {  	v2 =	vld [tilespmem:s13+$0x6000]  }
0x119: {  	v0 =	vadd.f32 v3, v0  }
0x11a: {  	v3 =	vld [tilespmem:s13+$0x6200]  }
0x11b: {  	v0 =	vadd.f32 v1, v0  }
0x11c: {  	v1 =	vld [tilespmem:s13+$0x6400]  }
0x11d: {  	v0 =	vadd.f32 v2, v0  }
0x11e: {  	v2 =	vld [tilespmem:s13+$0x6600]  }
0x11f: {  	v0 =	vadd.f32 v3, v0  }
.Ltmp1:
0x120: {  	(pc) =	sbr.rel @p0 .LBB2_4-.Ltmp1, $3  }
0x121: {  	v0 =	vadd.f32 v1, v0;
	_ =	sdelay $0x1  }
0x122: {  	s14 =	sshrl.u32 s0, $0x2;
	s1 =	sadd.s32 $0x10, s1;
	s11 =	sshra.s32 s11, $0x2;
	v0 =	vadd.f32 v2, v0  }
0x123: {  	s0 =	sadd.s32 $0x40, s0;
	s14 =	sand.u32 $0x180, s14;
	s13 =	sand.u32 $0x70, s1  }
0x124: {  	s0 =	sor.u32 s13, s14;
	[tilespmem:s11+$0x6800] =	vst v0  }
0x125: {  	v0 =	vld [tilespmem:s0+$0x3400]  }
0x126: {  	v1 =	vld [tilespmem:$0x6A00];
	_ =	sdelay $0x1  }
0x127: {  	v2 =	vld [tilespmem:s0+$0x3600];
	_ =	sdelay $0x1  }
0x128: {  	v3 =	vld [tilespmem:s0+$0x3800]  }
0x129: {  	v0 =	vadd.f32 v0, v1  }
0x12a: {  	v41 =	vld [tilespmem:s0+$0x3A00]  }
0x12b: {  	v0 =	vadd.f32 v2, v0  }
0x12c: {  	v42 =	vld [tilespmem:s0+$0x3C00]  }
0x12d: {  	v0 =	vadd.f32 v3, v0  }
0x12e: {  	v43 =	vld [tilespmem:s0+$0x3E00]  }
0x12f: {  	v0 =	vadd.f32 v41, v0  }
0x130: {  	v44 =	vld [tilespmem:s0+$0x4000]  }
0x131: {  	v0 =	vadd.f32 v42, v0  }
0x132: {  	v45 =	vld [tilespmem:s0+$0x4200]  }
0x133: {  	v0 =	vadd.f32 v43, v0  }
0x134: {  	v46 =	vld [tilespmem:s0+$0x4400]  }
0x135: {  	v0 =	vadd.f32 v44, v0  }
0x136: {  	v47 =	vld [tilespmem:s0+$0x4600]  }
0x137: {  	v0 =	vadd.f32 v45, v0  }
0x138: {  	v48 =	vld [tilespmem:s0+$0x4800]  }
0x139: {  	v0 =	vadd.f32 v46, v0  }
0x13a: {  	v49 =	vld [tilespmem:s0+$0x4A00]  }
0x13b: {  	v0 =	vadd.f32 v47, v0  }
0x13c: {  	v50 =	vld [tilespmem:s0+$0x4C00]  }
0x13d: {  	v0 =	vadd.f32 v48, v0  }
0x13e: {  	v51 =	vld [tilespmem:s0+$0x4E00]  }
0x13f: {  	v0 =	vadd.f32 v49, v0  }
0x140: {  	v52 =	vld [tilespmem:s0+$0x5000]  }
0x141: {  	v0 =	vadd.f32 v50, v0  }
0x142: {  	v53 =	vld [tilespmem:s0+$0x5200]  }
0x143: {  	v0 =	vadd.f32 v51, v0  }
0x144: {  	v54 =	vld [tilespmem:s0+$0x5400]  }
0x145: {  	v0 =	vadd.f32 v52, v0  }
0x146: {  	v55 =	vld [tilespmem:s0+$0x5600]  }
0x147: {  	v0 =	vadd.f32 v53, v0  }
0x148: {  	v56 =	vld [tilespmem:s0+$0x5800]  }
0x149: {  	v0 =	vadd.f32 v54, v0  }
0x14a: {  	v57 =	vld [tilespmem:s0+$0x5A00]  }
0x14b: {  	v0 =	vadd.f32 v55, v0  }
0x14c: {  	v58 =	vld [tilespmem:s0+$0x5C00]  }
0x14d: {  	v0 =	vadd.f32 v56, v0  }
0x14e: {  	v59 =	vld [tilespmem:s0+$0x5E00]  }
0x14f: {  	v0 =	vadd.f32 v57, v0  }
0x150: {  	v60 =	vld [tilespmem:s0+$0x6000]  }
0x151: {  	v0 =	vadd.f32 v58, v0  }
0x152: {  	v61 =	vld [tilespmem:s0+$0x6200]  }
0x153: {  	v0 =	vadd.f32 v59, v0  }
0x154: {  	v62 =	vld [tilespmem:s0+$0x6400]  }
0x155: {  	v0 =	vadd.f32 v60, v0  }
0x156: {  	v63 =	vld [tilespmem:s0+$0x6600]  }
0x157: {  	v0 =	vadd.f32 v61, v0;
	_ =	sdelay $0x1  }
0x158: {  	v0 =	vadd.f32 v62, v0;
	_ =	sdelay $0x1  }
0x159: {  	s30 =	sadd.s32 $0x1, s30;
	v0 =	vadd.f32 v63, v0  }
0x15a: {  	s31 =	sshra.s32 s31, $0x2;
	p0 =	sne.s32 s30, s8  }
.Ltmp2:
0x15b: {  	[tilespmem:s31+$0x6800] =	vst v0;
	(pc) =	sbr.rel @p0 .LBB2_1-.Ltmp2, $4  }
0x15c: {  	[hbm4b:s7+s3] =	stream.linear.scatter [tilespmem:s29], [sflag:$0x2], $0x200, $0x38;
	[tilespmem:$0x6A80] =	vst v63  }
0x15d: {  	_ =	swait.ge [sflag:s10], $0x200  }
0x15e: {  	[sflag:s10] =	ssyncset.done $0x0  }
0x15f: {  	[sflag:s10] =	ssyncadd.s32 $0xFFFFFE00  }
0x160: {  	_ =	sfence.sel $0x180000  }
0x161: {  	[bflag:$0x0] =	sbarrier.arrive $0xFFFF  }
0x162: {  	_ =	strace $0x90000047  }
0x163: {  	s0 =	stileid.u32;
	[bflag:$0x2] =	sbarrier.arrive $0xFFFF  }
0x164: {  	p0 =	sne.s32 s0, $0x0;
	s0 =	rddreg [dreg:$0x3]  }
0x165: {  	s0 =	sadd.s32 @!p0 $0x100000, s0  }
0x166: {  	[sflag:s0] =	ssyncadd.tile.s32 @!p0 $0x1;
	_ =	shalt  }
.Lfunc_end2:
_tile_overlayer_lowered:
.L_overlay_start_2:
0x167: {  	(tag) =	ssettag $0x2  }
0x168: {  	s0 =	rddreg [dreg:$0x0];
	s2 =	stileid.u32  }
0x169: {  	s1 =	rddreg [dreg:$0x1];
	p0 =	sne.s32 s2, $0x0  }
0x16a: {  	s3 =	rddreg [dreg:$0x2];
	[bflag:$0x3] =	sbarrier.arrive $0xFFFF;
	s2 =	simm.s32 @!p0 $0x1C02  }
0x16b: {  	[timem:s3], [sflag:s2] =	dma.local @!p0 [hbm:s0], s1  }
0x16c: {  	s0 =	simm.s32 @!p0 $0x2  }
0x16d: {  	_ =	swait.ge @!p0 [sflag:s0], s1  }
0x16e: {  	s1 =	ssub.s32 @!p0 $0x0, s1;
	[sflag:s0] =	ssyncset.done @!p0 $0x0  }
0x16f: {  	[sflag:s0] =	ssyncadd.s32 @!p0 s1  }
0x170: {  	[bflag:$0x3] =	sbarrier.arrive $0xFFFF  }
0x171: {  	_ =	shalt  }

</sc_bundles>
